<compile_context>
chip_gen: v7x
topology: tpu7x:2x2x1
jax: 0.10.2.dev20260603
libtpu: 0.0.44.dev20260713+nightly
codegen_flags: <defaults>
</compile_context>

<pallas_src>
import jax
import jax.numpy as jnp
from jax import lax
from jax.experimental import pallas as pl
from jax.experimental.pallas import tpu as pltpu
from jax.experimental.pallas import tpu_sc as plsc

NC = 2
NS = 16
NW = NC * NS
L = 16

B = 16
OFF = 8
T = B * B * B
T4 = 4 * T

CHUNK = 10000
UNROLL = 25
R = 1


def _vox(v):
    t = v.astype(jnp.int32)
    t = t - (v < t.astype(jnp.float32)).astype(jnp.int32)
    return t & (B - 1)


def _hist_body(xs_hbm, ys_hbm, zs_hbm, part,
               bufx, bufy, bufz, hr, shtab, mbuf2, msl, sem):
    cid = lax.axis_index("c")
    sid = lax.axis_index("s")
    wid = cid * NS + sid
    ppw = xs_hbm.shape[0] // NW

    zv = jnp.zeros((L,), jnp.float32)

    def zero_tab(i, _):
        hr[pl.ds(i * L, L)] = zv
        return 0
    lax.fori_loop(0, R * T4 // L, zero_tab, 0)

    ones = jnp.ones((L,), jnp.float32)
    lrep = (lax.iota(jnp.int32, L) & (R - 1)) * T4
    base0 = wid * ppw

    nchunks = ppw // CHUNK

    def _dma(k, slot, make_only):
        b = base0 + k * CHUNK
        s = pl.ds(slot * CHUNK, CHUNK)
        fn = pltpu.make_async_copy if make_only else pltpu.async_copy
        return [fn(xs_hbm.at[pl.ds(b, CHUNK)], bufx.at[s], sem),
                fn(ys_hbm.at[pl.ds(b, CHUNK)], bufy.at[s], sem),
                fn(zs_hbm.at[pl.ds(b, CHUNK)], bufz.at[s], sem)]

    _dma(0, 0, False)

    def chunk_body(k, _):
        slot = k & 1
        for dsc in _dma(k, slot, True):
            dsc.wait()

        @pl.when(k + 1 < nchunks)
        def _():
            _dma(k + 1, slot ^ 1, False)

        soff = slot * CHUNK

        @plsc.parallel_loop(0, CHUNK // L, unroll=UNROLL)
        def _(i):
            s = pl.ds(soff + i * L, L)
            xv = bufx[s]
            yv = bufy[s]
            zv_ = bufz[s]
            cx = _vox(xv)
            cy = _vox(yv)
            cz = _vox(zv_)
            k4 = ((((cx * B + cy) * B) + cz) * 4) + lrep
            plsc.addupdate_scatter(hr, [k4], xv)
            plsc.addupdate_scatter(hr, [k4 + 1], yv)
            plsc.addupdate_scatter(hr, [k4 + 2], zv_)
            plsc.addupdate_scatter(hr, [k4 + 3], ones)
        return 0
    lax.fori_loop(0, nchunks, chunk_body, 0)

    def fold(i, _):
        s = pl.ds(i * L, L)
        acc = hr[s]
        for r in range(1, R):
            acc = acc + hr[pl.ds(r * T4 + i * L, L)]
        hr[s] = acc
        return 0
    lax.fori_loop(0, T4 // L, fold, 0)

    pltpu.sync_copy(hr.at[pl.ds(0, T4)], shtab.at[sid])
    plsc.subcore_barrier()

    seg = T4 // NS
    pltpu.sync_copy(shtab.at[:, pl.ds(sid * seg, seg)], mbuf2)

    def red(j, _):
        acc = mbuf2[0, pl.ds(j * L, L)]
        for t in range(1, NS):
            acc = acc + mbuf2[t, pl.ds(j * L, L)]
        msl[pl.ds(j * L, L)] = acc
        return 0
    lax.fori_loop(0, seg // L, red, 0)

    pltpu.sync_copy(msl, part.at[cid, pl.ds(sid * seg, seg)])


def _compact_body(part, packed, m_out, ta, tb, outbuf, msc):
    cid = lax.axis_index("c")
    sid = lax.axis_index("s")
    wid = cid * NS + sid

    zv = jnp.zeros((L,), jnp.float32)

    @pl.when(wid == 0)
    def _():
        pltpu.sync_copy(part.at[0], ta)
        pltpu.sync_copy(part.at[1], tb)

        def addk(i, _):
            ta[pl.ds(i * L, L)] = ta[pl.ds(i * L, L)] + tb[pl.ds(i * L, L)]
            return 0
        lax.fori_loop(0, T4 // L, addk, 0)

        def zero_o(i, _):
            outbuf[pl.ds(i * L, L)] = zv
            return 0
        lax.fori_loop(0, outbuf.shape[0] // L, zero_o, 0)

        wz4 = (((lax.iota(jnp.int32, L) + OFF) & (B - 1)) * 4)

        def comp(j, off):
            wx = ((j // B + OFF) & (B - 1))
            wy = ((j % B + OFF) & (B - 1))
            b4 = (wx * B + wy) * (B * 4) + wz4
            cnt = plsc.load_gather(ta, [b4 + 3])
            m = cnt > 0.0
            pos = off + plsc.cumsum(m.astype(jnp.int32)) - 1
            for ch in range(3):
                v = plsc.load_gather(ta, [b4 + ch]) / cnt
                plsc.store_scatter(outbuf, [pos + ch * T], v, mask=m)
            return off + plsc.all_reduce_population_count(m)
        off = lax.fori_loop(0, T // L, comp, jnp.zeros((L,), jnp.int32))

        msc[...] = off
        pltpu.sync_copy(msc, m_out)
        pltpu.sync_copy(outbuf, packed)


def kernel(points, leaf_size):
    n, d = points.shape
    inv = (1.0 / leaf_size).astype(jnp.float32)
    xs = points[:, 0] * inv
    ys = points[:, 1] * inv
    zs = points[:, 2] * inv
    mesh = plsc.VectorSubcoreMesh(core_axis_name="c", subcore_axis_name="s")
    cparams = pltpu.CompilerParams(needs_layout_passes=False)

    hist = pl.kernel(
        _hist_body,
        out_type=jax.ShapeDtypeStruct((NC, T4), jnp.float32),
        mesh=mesh,
        compiler_params=cparams,
        scratch_types=[
            pltpu.VMEM((2 * CHUNK,), jnp.float32),
            pltpu.VMEM((2 * CHUNK,), jnp.float32),
            pltpu.VMEM((2 * CHUNK,), jnp.float32),
            pltpu.VMEM((R * T4,), jnp.float32),
            pltpu.VMEM_SHARED((NS, T4), jnp.float32),
            pltpu.VMEM((NS, T4 // NS), jnp.float32),
            pltpu.VMEM((T4 // NS,), jnp.float32),
            pltpu.SemaphoreType.DMA,
        ],
    )
    part = hist(xs, ys, zs)

    compact = pl.kernel(
        _compact_body,
        out_type=(
            jax.ShapeDtypeStruct((3 * T,), jnp.float32),
            jax.ShapeDtypeStruct((L,), jnp.int32),
        ),
        mesh=mesh,
        compiler_params=cparams,
        scratch_types=[
            pltpu.VMEM((T4,), jnp.float32),
            pltpu.VMEM((T4,), jnp.float32),
            pltpu.VMEM((3 * T,), jnp.float32),
            pltpu.VMEM((L,), jnp.int32),
        ],
    )
    packed, m_arr = compact(part)

    packed = packed * leaf_size.astype(jnp.float32)
    cols = [jnp.pad(packed[ch * T:(ch + 1) * T], (0, n - T)) for ch in range(d)]
    out = jnp.stack(cols, axis=1)
    mask = jnp.arange(n, dtype=jnp.int32) < m_arr[0]
    return out, mask

# --- scband reference (transcript-rebuilt; emitter-appended) ---
"""Pipeline reference for scband-voxel-downsampling-23562190586069 (READ-ONLY COPY).

The authoritative reference and input builder live on the scoring server;
editing this copy changes nothing except your own understanding.
"""

import jax, jax.numpy as jnp
import numpy as np


def setup_inputs(seed: int = 0) -> dict:
    key = jax.random.key(seed)
    points = jax.random.normal(key, (3200000, 3), dtype=jnp.float32)
    leaf_size = jnp.ones((), dtype=jnp.float32)
    return {"points": points, "leaf_size": leaf_size}


def reference(points, leaf_size):
    N = points.shape[0]
    D = points.shape[1]
    voxel_coords = jnp.floor(points / leaf_size).astype(jnp.int32)
    voxel_min = voxel_coords.min(axis=0)
    voxel_coords = voxel_coords - voxel_min
    voxel_max = voxel_coords.max(axis=0)
    dim1 = voxel_max[1] + 1
    dim2 = voxel_max[2] + 1
    voxel_keys = voxel_coords[:, 0] * dim1 * dim2 + voxel_coords[:, 1] * dim2 + voxel_coords[:, 2]
    sorted_indices = jnp.argsort(voxel_keys)
    sorted_keys = voxel_keys[sorted_indices]
    sorted_points = points[sorted_indices]
    is_new_group = jnp.concatenate([jnp.array([True]), sorted_keys[1:] != sorted_keys[:-1]])
    is_group_end = jnp.concatenate([sorted_keys[:-1] != sorted_keys[1:], jnp.array([True])])
    group_ids = jnp.cumsum(is_new_group.astype(jnp.int32)) - 1
    prefix_sum = jnp.cumsum(sorted_points, axis=0)
    prefix_count = jnp.cumsum(jnp.ones((N, 1), dtype=jnp.float32), axis=0)
    shifted_prefix_sum = jnp.zeros_like(prefix_sum).at[1:].set(prefix_sum[:-1])
    shifted_prefix_count = jnp.zeros_like(prefix_count).at[1:].set(prefix_count[:-1])
    group_start_indices = jnp.nonzero(is_new_group, size=N, fill_value=0)[0]
    group_end_indices = jnp.nonzero(is_group_end, size=N, fill_value=N - 1)[0]
    start_per_pos = group_start_indices[group_ids]
    offset_sum = shifted_prefix_sum[start_per_pos]
    offset_count = shifted_prefix_count[start_per_pos]
    local_prefix_sum = prefix_sum - offset_sum
    local_prefix_count = prefix_count - offset_count
    group_total_sum = local_prefix_sum[group_end_indices]
    group_total_count = local_prefix_count[group_end_indices]
    group_means = group_total_sum / group_total_count
    M = jnp.sum(is_new_group.astype(jnp.int32))
    mask = jnp.arange(N) < M
    output_points = jnp.where(mask[:, None], group_means, jnp.zeros((), dtype=jnp.float32))
    return (output_points, mask)

if __name__ == "__main__":
    import jax
    _d = setup_inputs()
    print(jax.jit(kernel)(*tuple(_d.values())))

</pallas_src>

<mosaic_0001>
#map = affine_map<(d0, d1) -> (0)>
#map1 = affine_map<(d0, d1) -> (0, 0)>
module attributes {stable_mosaic.version = 14 : i64} {
  func.func @_hist_body(%arg0: i32, %arg1: i32, %arg2: memref<3200000xf32, #tpu.memory_space<hbm>>, %arg3: memref<3200000xf32, #tpu.memory_space<hbm>>, %arg4: memref<3200000xf32, #tpu.memory_space<hbm>>, %arg5: memref<2x16384xf32, #tpu.memory_space<hbm>>, %arg6: memref<20000xf32, #tpu.memory_space<vmem>>, %arg7: memref<20000xf32, #tpu.memory_space<vmem>>, %arg8: memref<20000xf32, #tpu.memory_space<vmem>>, %arg9: memref<16384xf32, #tpu.memory_space<vmem>>, %arg10: memref<16x16384xf32, #tpu.memory_space<vmem_shared>>, %arg11: memref<16x1024xf32, #tpu.memory_space<vmem>>, %arg12: memref<1024xf32, #tpu.memory_space<vmem>>, %arg13: memref<!tpu.dma_semaphore, #tpu.memory_space<semaphore_mem>>) attributes {dimension_semantics = [#tpu.dimension_semantics<core_parallel>, #tpu.dimension_semantics<subcore_parallel>], iteration_bounds = array<i64: 2, 16>, scalar_prefetch = 0 : i64, scratch_operands = 8 : i64, tpu.core_type = #tpu.core_type<sc_vector_subcore>, window_params = [{transform_indices = #map}, {transform_indices = #map}, {transform_indices = #map}, {transform_indices = #map1}]} {
    %mul3A = arith.constant 16 : i32
    %mul3A_0 = arith.muli %arg0, %mul3A : i32
    %add3A = arith.addi %mul3A_0, %arg1 : i32
    %broadcast_in_dim3A = arith.constant 0.000000e+00 : f32
    %broadcast_in_dim3A_1 = vector.broadcast %broadcast_in_dim3A : f32 to vector<16xf32>
    %scan3A = arith.constant 0 : i32
    %scan3A_2 = arith.constant 0 : i32
    %scan3A_3 = arith.constant 1024 : i32
    %scan3A_4 = arith.addi %scan3A_2, %scan3A_3 : i32
    %scan3A_5 = arith.constant 1 : i32
    %scan3A_6 = scf.for %scan3A_61 = %scan3A_2 to %scan3A_4 step %scan3A_5 iter_args(%scan3A_62 = %scan3A) -> (i32)  : i32 {
      %mul3A_63 = arith.constant 16 : i32
      %mul3A_64 = arith.muli %scan3A_61, %mul3A_63 : i32
      %swap3A = arith.index_cast %mul3A_64 : i32 to index
      %swap3A_65 = tpu.vector_load %arg9[%swap3A] {strides = array<i32>} : memref<16384xf32, #tpu.memory_space<vmem>>, vector<16xf32>,
      tpu.vector_store %arg9[%swap3A], %broadcast_in_dim3A_1 {strides = array<i32>} : memref<16384xf32, #tpu.memory_space<vmem>>, vector<16xf32>,
      %scan3A_66 = arith.constant 0 : i32
      scf.yield %scan3A_66 : i32
    }
    %scan3A_7 = arith.constant 1024 : i32
    %broadcast_in_dim3A_8 = arith.constant 1.000000e+00 : f32
    %broadcast_in_dim3A_9 = vector.broadcast %broadcast_in_dim3A_8 : f32 to vector<16xf32>
    %iota3A = tpu.iota {dimensions = array<i32: 0>} : vector<16xi32>
    %and3A = arith.constant 0 : i32
    %and3A_10 = vector.broadcast %and3A : i32 to vector<16xi32>
    %and3A_11 = arith.andi %iota3A, %and3A_10 : vector<16xi32>
    %mul3A_12 = arith.constant 16384 : i32
    %mul3A_13 = vector.broadcast %mul3A_12 : i32 to vector<16xi32>
    %mul3A_14 = arith.muli %and3A_11, %mul3A_13 : vector<16xi32>
    %mul3A_15 = arith.constant 100000 : i32
    %mul3A_16 = arith.muli %add3A, %mul3A_15 : i32
    %add3A_17 = arith.constant 0 : i32
    %add3A_18 = arith.addi %mul3A_16, %add3A_17 : i32
    %dma_start3A = arith.constant 0 : i32
    %dma_start3A_19 = tpu.memref_slice %arg6[%dma_start3A] : memref<20000xf32, #tpu.memory_space<vmem>> -> memref<10000xf32, #tpu.memory_space<vmem>>
    %dma_start3A_20 = tpu.memref_slice %arg2[%add3A_18] : memref<3200000xf32, #tpu.memory_space<hbm>> -> memref<10000xf32, #tpu.memory_space<hbm>>
    %dma_start3A_21 = arith.constant 0 : i32
    %dma_start3A_22 = tpu.memref_slice %arg6[%dma_start3A_21] : memref<20000xf32, #tpu.memory_space<vmem>> -> memref<10000xf32, #tpu.memory_space<vmem>>
    %dma_start3A_23 = tpu.memref_slice %arg2[%add3A_18] : memref<3200000xf32, #tpu.memory_space<hbm>> -> memref<10000xf32, #tpu.memory_space<hbm>>
    tpu.enqueue_dma source(%dma_start3A_23 : memref<10000xf32, #tpu.memory_space<hbm>>) target(%dma_start3A_22 : memref<10000xf32, #tpu.memory_space<vmem>>) target_semaphore(%arg13 : memref<!tpu.dma_semaphore, #tpu.memory_space<semaphore_mem>>)
    %dma_start3A_24 = arith.constant 0 : i32
    %dma_start3A_25 = tpu.memref_slice %arg7[%dma_start3A_24] : memref<20000xf32, #tpu.memory_space<vmem>> -> memref<10000xf32, #tpu.memory_space<vmem>>
    %dma_start3A_26 = tpu.memref_slice %arg3[%add3A_18] : memref<3200000xf32, #tpu.memory_space<hbm>> -> memref<10000xf32, #tpu.memory_space<hbm>>
    %dma_start3A_27 = arith.constant 0 : i32
    %dma_start3A_28 = tpu.memref_slice %arg7[%dma_start3A_27] : memref<20000xf32, #tpu.memory_space<vmem>> -> memref<10000xf32, #tpu.memory_space<vmem>>
    %dma_start3A_29 = tpu.memref_slice %arg3[%add3A_18] : memref<3200000xf32, #tpu.memory_space<hbm>> -> memref<10000xf32, #tpu.memory_space<hbm>>
    tpu.enqueue_dma source(%dma_start3A_29 : memref<10000xf32, #tpu.memory_space<hbm>>) target(%dma_start3A_28 : memref<10000xf32, #tpu.memory_space<vmem>>) target_semaphore(%arg13 : memref<!tpu.dma_semaphore, #tpu.memory_space<semaphore_mem>>)
    %dma_start3A_30 = arith.constant 0 : i32
    %dma_start3A_31 = tpu.memref_slice %arg8[%dma_start3A_30] : memref<20000xf32, #tpu.memory_space<vmem>> -> memref<10000xf32, #tpu.memory_space<vmem>>
    %dma_start3A_32 = tpu.memref_slice %arg4[%add3A_18] : memref<3200000xf32, #tpu.memory_space<hbm>> -> memref<10000xf32, #tpu.memory_space<hbm>>
    %dma_start3A_33 = arith.constant 0 : i32
    %dma_start3A_34 = tpu.memref_slice %arg8[%dma_start3A_33] : memref<20000xf32, #tpu.memory_space<vmem>> -> memref<10000xf32, #tpu.memory_space<vmem>>
    %dma_start3A_35 = tpu.memref_slice %arg4[%add3A_18] : memref<3200000xf32, #tpu.memory_space<hbm>> -> memref<10000xf32, #tpu.memory_space<hbm>>
    tpu.enqueue_dma source(%dma_start3A_35 : memref<10000xf32, #tpu.memory_space<hbm>>) target(%dma_start3A_34 : memref<10000xf32, #tpu.memory_space<vmem>>) target_semaphore(%arg13 : memref<!tpu.dma_semaphore, #tpu.memory_space<semaphore_mem>>)
    %scan3A_36 = arith.constant 0 : i32
    %scan3A_37 = arith.constant 0 : i32
    %scan3A_38 = arith.constant 10 : i32
    %scan3A_39 = arith.addi %scan3A_37, %scan3A_38 : i32
    %scan3A_40 = arith.constant 1 : i32
    %scan3A_41 = scf.for %scan3A_61 = %scan3A_37 to %scan3A_39 step %scan3A_40 iter_args(%scan3A_62 = %scan3A_36) -> (i32)  : i32 {
      %and3A_63 = arith.constant 1 : i32
      %and3A_64 = arith.andi %scan3A_61, %and3A_63 : i32
      %mul3A_65 = arith.constant 10000 : i32
      %mul3A_66 = arith.muli %scan3A_61, %mul3A_65 : i32
      %add3A_67 = arith.addi %mul3A_16, %mul3A_66 : i32
      %mul3A_68 = arith.constant 10000 : i32
      %mul3A_69 = arith.muli %and3A_64, %mul3A_68 : i32
      %dma_wait3A = tpu.memref_slice %arg6[%mul3A_69] : memref<20000xf32, #tpu.memory_space<vmem>> -> memref<10000xf32, #tpu.memory_space<vmem>>
      %dma_wait3A_70 = tpu.memref_slice %arg2[%add3A_67] : memref<3200000xf32, #tpu.memory_space<hbm>> -> memref<10000xf32, #tpu.memory_space<hbm>>
      %dma_wait3A_71 = tpu.memref_slice %arg6[%mul3A_69] : memref<20000xf32, #tpu.memory_space<vmem>> -> memref<10000xf32, #tpu.memory_space<vmem>>
      %dma_wait3A_72 = tpu.memref_slice %arg2[%add3A_67] : memref<3200000xf32, #tpu.memory_space<hbm>> -> memref<10000xf32, #tpu.memory_space<hbm>>
      tpu.wait_dma2 semaphore(%arg13 : memref<!tpu.dma_semaphore, #tpu.memory_space<semaphore_mem>>) src(%dma_wait3A_72 : memref<10000xf32, #tpu.memory_space<hbm>>) dst(%dma_wait3A_71 : memref<10000xf32, #tpu.memory_space<vmem>>)
      %dma_wait3A_73 = tpu.memref_slice %arg7[%mul3A_69] : memref<20000xf32, #tpu.memory_space<vmem>> -> memref<10000xf32, #tpu.memory_space<vmem>>
      %dma_wait3A_74 = tpu.memref_slice %arg3[%add3A_67] : memref<3200000xf32, #tpu.memory_space<hbm>> -> memref<10000xf32, #tpu.memory_space<hbm>>
      %dma_wait3A_75 = tpu.memref_slice %arg7[%mul3A_69] : memref<20000xf32, #tpu.memory_space<vmem>> -> memref<10000xf32, #tpu.memory_space<vmem>>
      %dma_wait3A_76 = tpu.memref_slice %arg3[%add3A_67] : memref<3200000xf32, #tpu.memory_space<hbm>> -> memref<10000xf32, #tpu.memory_space<hbm>>
      tpu.wait_dma2 semaphore(%arg13 : memref<!tpu.dma_semaphore, #tpu.memory_space<semaphore_mem>>) src(%dma_wait3A_76 : memref<10000xf32, #tpu.memory_space<hbm>>) dst(%dma_wait3A_75 : memref<10000xf32, #tpu.memory_space<vmem>>)
      %dma_wait3A_77 = tpu.memref_slice %arg8[%mul3A_69] : memref<20000xf32, #tpu.memory_space<vmem>> -> memref<10000xf32, #tpu.memory_space<vmem>>
      %dma_wait3A_78 = tpu.memref_slice %arg4[%add3A_67] : memref<3200000xf32, #tpu.memory_space<hbm>> -> memref<10000xf32, #tpu.memory_space<hbm>>
      %dma_wait3A_79 = tpu.memref_slice %arg8[%mul3A_69] : memref<20000xf32, #tpu.memory_space<vmem>> -> memref<10000xf32, #tpu.memory_space<vmem>>
      %dma_wait3A_80 = tpu.memref_slice %arg4[%add3A_67] : memref<3200000xf32, #tpu.memory_space<hbm>> -> memref<10000xf32, #tpu.memory_space<hbm>>
      tpu.wait_dma2 semaphore(%arg13 : memref<!tpu.dma_semaphore, #tpu.memory_space<semaphore_mem>>) src(%dma_wait3A_80 : memref<10000xf32, #tpu.memory_space<hbm>>) dst(%dma_wait3A_79 : memref<10000xf32, #tpu.memory_space<vmem>>)
      %add3A_81 = arith.constant 1 : i32
      %add3A_82 = arith.addi %scan3A_61, %add3A_81 : i32
      %lt3A = arith.constant 10 : i32
      %lt3A_83 = arith.cmpi slt, %add3A_82, %lt3A : i32
      %convert_element_type3A = arith.extui %lt3A_83 : i1 to i32
      %cond3A = arith.constant 0 : i32
      %cond3A_84 = arith.cmpi ne, %convert_element_type3A, %cond3A : i32
      scf.if %cond3A_84 {
        %add3A_90 = arith.constant 1 : i32
        %add3A_91 = arith.addi %scan3A_61, %add3A_90 : i32
        %xor3A = arith.constant 1 : i32
        %xor3A_92 = arith.xori %and3A_64, %xor3A : i32
        %mul3A_93 = arith.constant 10000 : i32
        %mul3A_94 = arith.muli %add3A_91, %mul3A_93 : i32
        %add3A_95 = arith.addi %mul3A_16, %mul3A_94 : i32
        %mul3A_96 = arith.constant 10000 : i32
        %mul3A_97 = arith.muli %xor3A_92, %mul3A_96 : i32
        %dma_start3A_98 = tpu.memref_slice %arg6[%mul3A_97] : memref<20000xf32, #tpu.memory_space<vmem>> -> memref<10000xf32, #tpu.memory_space<vmem>>
        %dma_start3A_99 = tpu.memref_slice %arg2[%add3A_95] : memref<3200000xf32, #tpu.memory_space<hbm>> -> memref<10000xf32, #tpu.memory_space<hbm>>
        %dma_start3A_100 = tpu.memref_slice %arg6[%mul3A_97] : memref<20000xf32, #tpu.memory_space<vmem>> -> memref<10000xf32, #tpu.memory_space<vmem>>
        %dma_start3A_101 = tpu.memref_slice %arg2[%add3A_95] : memref<3200000xf32, #tpu.memory_space<hbm>> -> memref<10000xf32, #tpu.memory_space<hbm>>
        tpu.enqueue_dma source(%dma_start3A_101 : memref<10000xf32, #tpu.memory_space<hbm>>) target(%dma_start3A_100 : memref<10000xf32, #tpu.memory_space<vmem>>) target_semaphore(%arg13 : memref<!tpu.dma_semaphore, #tpu.memory_space<semaphore_mem>>)
        %dma_start3A_102 = tpu.memref_slice %arg7[%mul3A_97] : memref<20000xf32, #tpu.memory_space<vmem>> -> memref<10000xf32, #tpu.memory_space<vmem>>
        %dma_start3A_103 = tpu.memref_slice %arg3[%add3A_95] : memref<3200000xf32, #tpu.memory_space<hbm>> -> memref<10000xf32, #tpu.memory_space<hbm>>
        %dma_start3A_104 = tpu.memref_slice %arg7[%mul3A_97] : memref<20000xf32, #tpu.memory_space<vmem>> -> memref<10000xf32, #tpu.memory_space<vmem>>
        %dma_start3A_105 = tpu.memref_slice %arg3[%add3A_95] : memref<3200000xf32, #tpu.memory_space<hbm>> -> memref<10000xf32, #tpu.memory_space<hbm>>
        tpu.enqueue_dma source(%dma_start3A_105 : memref<10000xf32, #tpu.memory_space<hbm>>) target(%dma_start3A_104 : memref<10000xf32, #tpu.memory_space<vmem>>) target_semaphore(%arg13 : memref<!tpu.dma_semaphore, #tpu.memory_space<semaphore_mem>>)
        %dma_start3A_106 = tpu.memref_slice %arg8[%mul3A_97] : memref<20000xf32, #tpu.memory_space<vmem>> -> memref<10000xf32, #tpu.memory_space<vmem>>
        %dma_start3A_107 = tpu.memref_slice %arg4[%add3A_95] : memref<3200000xf32, #tpu.memory_space<hbm>> -> memref<10000xf32, #tpu.memory_space<hbm>>
        %dma_start3A_108 = tpu.memref_slice %arg8[%mul3A_97] : memref<20000xf32, #tpu.memory_space<vmem>> -> memref<10000xf32, #tpu.memory_space<vmem>>
        %dma_start3A_109 = tpu.memref_slice %arg4[%add3A_95] : memref<3200000xf32, #tpu.memory_space<hbm>> -> memref<10000xf32, #tpu.memory_space<hbm>>
        tpu.enqueue_dma source(%dma_start3A_109 : memref<10000xf32, #tpu.memory_space<hbm>>) target(%dma_start3A_108 : memref<10000xf32, #tpu.memory_space<vmem>>) target_semaphore(%arg13 : memref<!tpu.dma_semaphore, #tpu.memory_space<semaphore_mem>>)
      } else {
      }
      %mul3A_85 = arith.constant 10000 : i32
      %mul3A_86 = arith.muli %and3A_64, %mul3A_85 : i32
      %parallel_loop3A = arith.constant 0 : i32
      %parallel_loop3A_87 = arith.constant 625 : i32
      %parallel_loop3A_88 = arith.constant 1 : i32
      scf.for %parallel_loop3A_90 = %parallel_loop3A to %parallel_loop3A_87 step %parallel_loop3A_88  : i32 {
        %parallel_loop3A_91 = arith.constant 16 : i32
        %parallel_loop3A_92 = arith.muli %parallel_loop3A_90, %parallel_loop3A_91 : i32
        %parallel_loop3A_93 = arith.addi %mul3A_86, %parallel_loop3A_92 : i32
        %parallel_loop3A_94 = arith.index_cast %parallel_loop3A_93 : i32 to index
        %parallel_loop3A_95 = tpu.vector_load %arg6[%parallel_loop3A_94] {strides = array<i32>} : memref<20000xf32, #tpu.memory_space<vmem>>, vector<16xf32>,
        %parallel_loop3A_96 = arith.index_cast %parallel_loop3A_93 : i32 to index
        %parallel_loop3A_97 = tpu.vector_load %arg7[%parallel_loop3A_96] {strides = array<i32>} : memref<20000xf32, #tpu.memory_space<vmem>>, vector<16xf32>,
        %parallel_loop3A_98 = arith.index_cast %parallel_loop3A_93 : i32 to index
        %parallel_loop3A_99 = tpu.vector_load %arg8[%parallel_loop3A_98] {strides = array<i32>} : memref<20000xf32, #tpu.memory_space<vmem>>, vector<16xf32>,
        %parallel_loop3A_100 = arith.fptosi %parallel_loop3A_95 : vector<16xf32> to vector<16xi32>
        %parallel_loop3A_101 = arith.sitofp %parallel_loop3A_100 : vector<16xi32> to vector<16xf32>
        %parallel_loop3A_102 = arith.cmpf olt, %parallel_loop3A_95, %parallel_loop3A_101 : vector<16xf32>
        %parallel_loop3A_103 = arith.extui %parallel_loop3A_102 : vector<16xi1> to vector<16xi32>
        %parallel_loop3A_104 = arith.subi %parallel_loop3A_100, %parallel_loop3A_103 : vector<16xi32>
        %parallel_loop3A_105 = arith.constant 15 : i32
        %parallel_loop3A_106 = vector.broadcast %parallel_loop3A_105 : i32 to vector<16xi32>
        %parallel_loop3A_107 = arith.andi %parallel_loop3A_104, %parallel_loop3A_106 : vector<16xi32>
        %parallel_loop3A_108 = arith.fptosi %parallel_loop3A_97 : vector<16xf32> to vector<16xi32>
        %parallel_loop3A_109 = arith.sitofp %parallel_loop3A_108 : vector<16xi32> to vector<16xf32>
        %parallel_loop3A_110 = arith.cmpf olt, %parallel_loop3A_97, %parallel_loop3A_109 : vector<16xf32>
        %parallel_loop3A_111 = arith.extui %parallel_loop3A_110 : vector<16xi1> to vector<16xi32>
        %parallel_loop3A_112 = arith.subi %parallel_loop3A_108, %parallel_loop3A_111 : vector<16xi32>
        %parallel_loop3A_113 = arith.constant 15 : i32
        %parallel_loop3A_114 = vector.broadcast %parallel_loop3A_113 : i32 to vector<16xi32>
        %parallel_loop3A_115 = arith.andi %parallel_loop3A_112, %parallel_loop3A_114 : vector<16xi32>
        %parallel_loop3A_116 = arith.fptosi %parallel_loop3A_99 : vector<16xf32> to vector<16xi32>
        %parallel_loop3A_117 = arith.sitofp %parallel_loop3A_116 : vector<16xi32> to vector<16xf32>
        %parallel_loop3A_118 = arith.cmpf olt, %parallel_loop3A_99, %parallel_loop3A_117 : vector<16xf32>
        %parallel_loop3A_119 = arith.extui %parallel_loop3A_118 : vector<16xi1> to vector<16xi32>
        %parallel_loop3A_120 = arith.subi %parallel_loop3A_116, %parallel_loop3A_119 : vector<16xi32>
        %parallel_loop3A_121 = arith.constant 15 : i32
        %parallel_loop3A_122 = vector.broadcast %parallel_loop3A_121 : i32 to vector<16xi32>
        %parallel_loop3A_123 = arith.andi %parallel_loop3A_120, %parallel_loop3A_122 : vector<16xi32>
        %parallel_loop3A_124 = arith.constant 16 : i32
        %parallel_loop3A_125 = vector.broadcast %parallel_loop3A_124 : i32 to vector<16xi32>
        %parallel_loop3A_126 = arith.muli %parallel_loop3A_107, %parallel_loop3A_125 : vector<16xi32>
        %parallel_loop3A_127 = arith.addi %parallel_loop3A_126, %parallel_loop3A_115 : vector<16xi32>
        %parallel_loop3A_128 = arith.constant 16 : i32
        %parallel_loop3A_129 = vector.broadcast %parallel_loop3A_128 : i32 to vector<16xi32>
        %parallel_loop3A_130 = arith.muli %parallel_loop3A_127, %parallel_loop3A_129 : vector<16xi32>
        %parallel_loop3A_131 = arith.addi %parallel_loop3A_130, %parallel_loop3A_123 : vector<16xi32>
        %parallel_loop3A_132 = arith.constant 4 : i32
        %parallel_loop3A_133 = vector.broadcast %parallel_loop3A_132 : i32 to vector<16xi32>
        %parallel_loop3A_134 = arith.muli %parallel_loop3A_131, %parallel_loop3A_133 : vector<16xi32>
        %parallel_loop3A_135 = arith.addi %parallel_loop3A_134, %mul3A_14 : vector<16xi32>
        tpu.vector_store_idx %arg9[%parallel_loop3A_135], %parallel_loop3A_95 {add = true} : memref<16384xf32, #tpu.memory_space<vmem>>[vector<16xi32>], vector<16xf32>,
        %parallel_loop3A_136 = arith.constant 1 : i32
        %parallel_loop3A_137 = vector.broadcast %parallel_loop3A_136 : i32 to vector<16xi32>
        %parallel_loop3A_138 = arith.addi %parallel_loop3A_135, %parallel_loop3A_137 : vector<16xi32>
        tpu.vector_store_idx %arg9[%parallel_loop3A_138], %parallel_loop3A_97 {add = true} : memref<16384xf32, #tpu.memory_space<vmem>>[vector<16xi32>], vector<16xf32>,
        %parallel_loop3A_139 = arith.constant 2 : i32
        %parallel_loop3A_140 = vector.broadcast %parallel_loop3A_139 : i32 to vector<16xi32>
        %parallel_loop3A_141 = arith.addi %parallel_loop3A_135, %parallel_loop3A_140 : vector<16xi32>
        tpu.vector_store_idx %arg9[%parallel_loop3A_141], %parallel_loop3A_99 {add = true} : memref<16384xf32, #tpu.memory_space<vmem>>[vector<16xi32>], vector<16xf32>,
        %parallel_loop3A_142 = arith.constant 3 : i32
        %parallel_loop3A_143 = vector.broadcast %parallel_loop3A_142 : i32 to vector<16xi32>
        %parallel_loop3A_144 = arith.addi %parallel_loop3A_135, %parallel_loop3A_143 : vector<16xi32>
        tpu.vector_store_idx %arg9[%parallel_loop3A_144], %broadcast_in_dim3A_9 {add = true} : memref<16384xf32, #tpu.memory_space<vmem>>[vector<16xi32>], vector<16xf32>,
      } {sc.loop_unroll_factor = 25 : i64, sc.parallel_access}
      %scan3A_89 = arith.constant 0 : i32
      scf.yield %scan3A_89 : i32
    }
    %scan3A_42 = arith.constant 10 : i32
    %scan3A_43 = arith.constant 0 : i32
    %scan3A_44 = arith.constant 0 : i32
    %scan3A_45 = arith.constant 1024 : i32
    %scan3A_46 = arith.addi %scan3A_44, %scan3A_45 : i32
    %scan3A_47 = arith.constant 1 : i32
    %scan3A_48 = scf.for %scan3A_61 = %scan3A_44 to %scan3A_46 step %scan3A_47 iter_args(%scan3A_62 = %scan3A_43) -> (i32)  : i32 {
      %mul3A_63 = arith.constant 16 : i32
      %mul3A_64 = arith.muli %scan3A_61, %mul3A_63 : i32
      %get3A = arith.index_cast %mul3A_64 : i32 to index
      %get3A_65 = tpu.vector_load %arg9[%get3A] {strides = array<i32>} : memref<16384xf32, #tpu.memory_space<vmem>>, vector<16xf32>,
      %swap3A = arith.index_cast %mul3A_64 : i32 to index
      %swap3A_66 = tpu.vector_load %arg9[%swap3A] {strides = array<i32>} : memref<16384xf32, #tpu.memory_space<vmem>>, vector<16xf32>,
      tpu.vector_store %arg9[%swap3A], %get3A_65 {strides = array<i32>} : memref<16384xf32, #tpu.memory_space<vmem>>, vector<16xf32>,
      %scan3A_67 = arith.constant 0 : i32
      scf.yield %scan3A_67 : i32
    }
    %scan3A_49 = arith.constant 1024 : i32
    "tpu.region"() ({
      %run_scoped3A = tpu.sem_alloc : memref<!tpu.dma_semaphore, #tpu.memory_space<semaphore_mem>>
      %dma_start3A_61 = arith.constant 0 : i32
      %dma_start3A_62 = tpu.memref_slice %arg9[%dma_start3A_61] : memref<16384xf32, #tpu.memory_space<vmem>> -> memref<16384xf32, #tpu.memory_space<vmem>>
      %dma_start3A_63 = arith.constant 0 : i32
      %dma_start3A_64 = tpu.memref_slice %arg10[%arg1, %dma_start3A_63] : memref<16x16384xf32, #tpu.memory_space<vmem_shared>> -> memref<1x16384xf32, #tpu.memory_space<vmem_shared>>
      %dma_start3A_65 = tpu.memref_squeeze %dma_start3A_64 : memref<1x16384xf32, #tpu.memory_space<vmem_shared>> -> memref<16384xf32, #tpu.memory_space<vmem_shared>>
      %dma_start3A_66 = arith.constant 0 : i32
      %dma_start3A_67 = tpu.memref_slice %arg10[%arg1, %dma_start3A_66] : memref<16x16384xf32, #tpu.memory_space<vmem_shared>> -> memref<1x16384xf32, #tpu.memory_space<vmem_shared>>
      %dma_start3A_68 = tpu.memref_squeeze %dma_start3A_67 : memref<1x16384xf32, #tpu.memory_space<vmem_shared>> -> memref<16384xf32, #tpu.memory_space<vmem_shared>>
      %dma_start3A_69 = arith.constant 0 : i32
      %dma_start3A_70 = tpu.memref_slice %arg9[%dma_start3A_69] : memref<16384xf32, #tpu.memory_space<vmem>> -> memref<16384xf32, #tpu.memory_space<vmem>>
      tpu.enqueue_dma source(%dma_start3A_70 : memref<16384xf32, #tpu.memory_space<vmem>>) target(%dma_start3A_68 : memref<16384xf32, #tpu.memory_space<vmem_shared>>) target_semaphore(%run_scoped3A : memref<!tpu.dma_semaphore, #tpu.memory_space<semaphore_mem>>)
      %dma_wait3A = arith.constant 0 : i32
      %dma_wait3A_71 = tpu.memref_slice %arg9[%dma_wait3A] : memref<16384xf32, #tpu.memory_space<vmem>> -> memref<16384xf32, #tpu.memory_space<vmem>>
      %dma_wait3A_72 = arith.constant 0 : i32
      %dma_wait3A_73 = tpu.memref_slice %arg10[%arg1, %dma_wait3A_72] : memref<16x16384xf32, #tpu.memory_space<vmem_shared>> -> memref<1x16384xf32, #tpu.memory_space<vmem_shared>>
      %dma_wait3A_74 = tpu.memref_squeeze %dma_wait3A_73 : memref<1x16384xf32, #tpu.memory_space<vmem_shared>> -> memref<16384xf32, #tpu.memory_space<vmem_shared>>
      %dma_wait3A_75 = arith.constant 0 : i32
      %dma_wait3A_76 = tpu.memref_slice %arg10[%arg1, %dma_wait3A_75] : memref<16x16384xf32, #tpu.memory_space<vmem_shared>> -> memref<1x16384xf32, #tpu.memory_space<vmem_shared>>
      %dma_wait3A_77 = tpu.memref_squeeze %dma_wait3A_76 : memref<1x16384xf32, #tpu.memory_space<vmem_shared>> -> memref<16384xf32, #tpu.memory_space<vmem_shared>>
      %dma_wait3A_78 = arith.constant 0 : i32
      %dma_wait3A_79 = tpu.memref_slice %arg9[%dma_wait3A_78] : memref<16384xf32, #tpu.memory_space<vmem>> -> memref<16384xf32, #tpu.memory_space<vmem>>
      tpu.wait_dma2 semaphore(%run_scoped3A : memref<!tpu.dma_semaphore, #tpu.memory_space<semaphore_mem>>) src(%dma_wait3A_79 : memref<16384xf32, #tpu.memory_space<vmem>>) dst(%dma_wait3A_77 : memref<16384xf32, #tpu.memory_space<vmem_shared>>)
      tpu.yield
    }) : () -> ()
    %barrier3A = arith.constant 0 : index
    tpu.barrier barrier_id(%barrier3A)
    %mul3A_50 = arith.constant 1024 : i32
    %mul3A_51 = arith.muli %arg1, %mul3A_50 : i32
    "tpu.region"() ({
      %run_scoped3A = tpu.sem_alloc : memref<!tpu.dma_semaphore, #tpu.memory_space<semaphore_mem>>
      %dma_start3A_61 = arith.constant 0 : i32
      %dma_start3A_62 = tpu.memref_slice %arg10[%dma_start3A_61, %mul3A_51] : memref<16x16384xf32, #tpu.memory_space<vmem_shared>> -> memref<16x1024xf32, #tpu.memory_space<vmem_shared>>
      %dma_start3A_63 = arith.constant 0 : i32
      %dma_start3A_64 = tpu.memref_slice %arg10[%dma_start3A_63, %mul3A_51] : memref<16x16384xf32, #tpu.memory_space<vmem_shared>> -> memref<16x1024xf32, #tpu.memory_space<vmem_shared>>
      tpu.enqueue_dma source(%dma_start3A_64 : memref<16x1024xf32, #tpu.memory_space<vmem_shared>>) target(%arg11 : memref<16x1024xf32, #tpu.memory_space<vmem>>) target_semaphore(%run_scoped3A : memref<!tpu.dma_semaphore, #tpu.memory_space<semaphore_mem>>)
      %dma_wait3A = arith.constant 0 : i32
      %dma_wait3A_65 = tpu.memref_slice %arg10[%dma_wait3A, %mul3A_51] : memref<16x16384xf32, #tpu.memory_space<vmem_shared>> -> memref<16x1024xf32, #tpu.memory_space<vmem_shared>>
      %dma_wait3A_66 = arith.constant 0 : i32
      %dma_wait3A_67 = tpu.memref_slice %arg10[%dma_wait3A_66, %mul3A_51] : memref<16x16384xf32, #tpu.memory_space<vmem_shared>> -> memref<16x1024xf32, #tpu.memory_space<vmem_shared>>
      tpu.wait_dma2 semaphore(%run_scoped3A : memref<!tpu.dma_semaphore, #tpu.memory_space<semaphore_mem>>) src(%dma_wait3A_67 : memref<16x1024xf32, #tpu.memory_space<vmem_shared>>) dst(%arg11 : memref<16x1024xf32, #tpu.memory_space<vmem>>)
      tpu.yield
    }) : () -> ()
    %scan3A_52 = arith.constant 0 : i32
    %scan3A_53 = arith.constant 0 : i32
    %scan3A_54 = arith.constant 64 : i32
    %scan3A_55 = arith.addi %scan3A_53, %scan3A_54 : i32
    %scan3A_56 = arith.constant 1 : i32
    %scan3A_57 = scf.for %scan3A_61 = %scan3A_53 to %scan3A_55 step %scan3A_56 iter_args(%scan3A_62 = %scan3A_52) -> (i32)  : i32 {
      %mul3A_63 = arith.constant 16 : i32
      %mul3A_64 = arith.muli %scan3A_61, %mul3A_63 : i32
      %get3A = arith.constant 0 : i32
      %get3A_65 = arith.index_cast %get3A : i32 to index
      %get3A_66 = arith.index_cast %mul3A_64 : i32 to index
      %get3A_67 = tpu.vector_load %arg11[%get3A_65, %get3A_66] {strides = array<i32>} : memref<16x1024xf32, #tpu.memory_space<vmem>>, vector<16xf32>,
      %mul3A_68 = arith.constant 16 : i32
      %mul3A_69 = arith.muli %scan3A_61, %mul3A_68 : i32
      %get3A_70 = arith.constant 1 : i32
      %get3A_71 = arith.index_cast %get3A_70 : i32 to index
      %get3A_72 = arith.index_cast %mul3A_69 : i32 to index
      %get3A_73 = tpu.vector_load %arg11[%get3A_71, %get3A_72] {strides = array<i32>} : memref<16x1024xf32, #tpu.memory_space<vmem>>, vector<16xf32>,
      %add3A_74 = arith.addf %get3A_67, %get3A_73 : vector<16xf32>
      %mul3A_75 = arith.constant 16 : i32
      %mul3A_76 = arith.muli %scan3A_61, %mul3A_75 : i32
      %get3A_77 = arith.constant 2 : i32
      %get3A_78 = arith.index_cast %get3A_77 : i32 to index
      %get3A_79 = arith.index_cast %mul3A_76 : i32 to index
      %get3A_80 = tpu.vector_load %arg11[%get3A_78, %get3A_79] {strides = array<i32>} : memref<16x1024xf32, #tpu.memory_space<vmem>>, vector<16xf32>,
      %add3A_81 = arith.addf %add3A_74, %get3A_80 : vector<16xf32>
      %mul3A_82 = arith.constant 16 : i32
      %mul3A_83 = arith.muli %scan3A_61, %mul3A_82 : i32
      %get3A_84 = arith.constant 3 : i32
      %get3A_85 = arith.index_cast %get3A_84 : i32 to index
      %get3A_86 = arith.index_cast %mul3A_83 : i32 to index
      %get3A_87 = tpu.vector_load %arg11[%get3A_85, %get3A_86] {strides = array<i32>} : memref<16x1024xf32, #tpu.memory_space<vmem>>, vector<16xf32>,
      %add3A_88 = arith.addf %add3A_81, %get3A_87 : vector<16xf32>
      %mul3A_89 = arith.constant 16 : i32
      %mul3A_90 = arith.muli %scan3A_61, %mul3A_89 : i32
      %get3A_91 = arith.constant 4 : i32
      %get3A_92 = arith.index_cast %get3A_91 : i32 to index
      %get3A_93 = arith.index_cast %mul3A_90 : i32 to index
      %get3A_94 = tpu.vector_load %arg11[%get3A_92, %get3A_93] {strides = array<i32>} : memref<16x1024xf32, #tpu.memory_space<vmem>>, vector<16xf32>,
      %add3A_95 = arith.addf %add3A_88, %get3A_94 : vector<16xf32>
      %mul3A_96 = arith.constant 16 : i32
      %mul3A_97 = arith.muli %scan3A_61, %mul3A_96 : i32
      %get3A_98 = arith.constant 5 : i32
      %get3A_99 = arith.index_cast %get3A_98 : i32 to index
      %get3A_100 = arith.index_cast %mul3A_97 : i32 to index
      %get3A_101 = tpu.vector_load %arg11[%get3A_99, %get3A_100] {strides = array<i32>} : memref<16x1024xf32, #tpu.memory_space<vmem>>, vector<16xf32>,
      %add3A_102 = arith.addf %add3A_95, %get3A_101 : vector<16xf32>
      %mul3A_103 = arith.constant 16 : i32
      %mul3A_104 = arith.muli %scan3A_61, %mul3A_103 : i32
      %get3A_105 = arith.constant 6 : i32
      %get3A_106 = arith.index_cast %get3A_105 : i32 to index
      %get3A_107 = arith.index_cast %mul3A_104 : i32 to index
      %get3A_108 = tpu.vector_load %arg11[%get3A_106, %get3A_107] {strides = array<i32>} : memref<16x1024xf32, #tpu.memory_space<vmem>>, vector<16xf32>,
      %add3A_109 = arith.addf %add3A_102, %get3A_108 : vector<16xf32>
      %mul3A_110 = arith.constant 16 : i32
      %mul3A_111 = arith.muli %scan3A_61, %mul3A_110 : i32
      %get3A_112 = arith.constant 7 : i32
      %get3A_113 = arith.index_cast %get3A_112 : i32 to index
      %get3A_114 = arith.index_cast %mul3A_111 : i32 to index
      %get3A_115 = tpu.vector_load %arg11[%get3A_113, %get3A_114] {strides = array<i32>} : memref<16x1024xf32, #tpu.memory_space<vmem>>, vector<16xf32>,
      %add3A_116 = arith.addf %add3A_109, %get3A_115 : vector<16xf32>
      %mul3A_117 = arith.constant 16 : i32
      %mul3A_118 = arith.muli %scan3A_61, %mul3A_117 : i32
      %get3A_119 = arith.constant 8 : i32
      %get3A_120 = arith.index_cast %get3A_119 : i32 to index
      %get3A_121 = arith.index_cast %mul3A_118 : i32 to index
      %get3A_122 = tpu.vector_load %arg11[%get3A_120, %get3A_121] {strides = array<i32>} : memref<16x1024xf32, #tpu.memory_space<vmem>>, vector<16xf32>,
      %add3A_123 = arith.addf %add3A_116, %get3A_122 : vector<16xf32>
      %mul3A_124 = arith.constant 16 : i32
      %mul3A_125 = arith.muli %scan3A_61, %mul3A_124 : i32
      %get3A_126 = arith.constant 9 : i32
      %get3A_127 = arith.index_cast %get3A_126 : i32 to index
      %get3A_128 = arith.index_cast %mul3A_125 : i32 to index
      %get3A_129 = tpu.vector_load %arg11[%get3A_127, %get3A_128] {strides = array<i32>} : memref<16x1024xf32, #tpu.memory_space<vmem>>, vector<16xf32>,
      %add3A_130 = arith.addf %add3A_123, %get3A_129 : vector<16xf32>
      %mul3A_131 = arith.constant 16 : i32
      %mul3A_132 = arith.muli %scan3A_61, %mul3A_131 : i32
      %get3A_133 = arith.constant 10 : i32
      %get3A_134 = arith.index_cast %get3A_133 : i32 to index
      %get3A_135 = arith.index_cast %mul3A_132 : i32 to index
      %get3A_136 = tpu.vector_load %arg11[%get3A_134, %get3A_135] {strides = array<i32>} : memref<16x1024xf32, #tpu.memory_space<vmem>>, vector<16xf32>,
      %add3A_137 = arith.addf %add3A_130, %get3A_136 : vector<16xf32>
      %mul3A_138 = arith.constant 16 : i32
      %mul3A_139 = arith.muli %scan3A_61, %mul3A_138 : i32
      %get3A_140 = arith.constant 11 : i32
      %get3A_141 = arith.index_cast %get3A_140 : i32 to index
      %get3A_142 = arith.index_cast %mul3A_139 : i32 to index
      %get3A_143 = tpu.vector_load %arg11[%get3A_141, %get3A_142] {strides = array<i32>} : memref<16x1024xf32, #tpu.memory_space<vmem>>, vector<16xf32>,
      %add3A_144 = arith.addf %add3A_137, %get3A_143 : vector<16xf32>
      %mul3A_145 = arith.constant 16 : i32
      %mul3A_146 = arith.muli %scan3A_61, %mul3A_145 : i32
      %get3A_147 = arith.constant 12 : i32
      %get3A_148 = arith.index_cast %get3A_147 : i32 to index
      %get3A_149 = arith.index_cast %mul3A_146 : i32 to index
      %get3A_150 = tpu.vector_load %arg11[%get3A_148, %get3A_149] {strides = array<i32>} : memref<16x1024xf32, #tpu.memory_space<vmem>>, vector<16xf32>,
      %add3A_151 = arith.addf %add3A_144, %get3A_150 : vector<16xf32>
      %mul3A_152 = arith.constant 16 : i32
      %mul3A_153 = arith.muli %scan3A_61, %mul3A_152 : i32
      %get3A_154 = arith.constant 13 : i32
      %get3A_155 = arith.index_cast %get3A_154 : i32 to index
      %get3A_156 = arith.index_cast %mul3A_153 : i32 to index
      %get3A_157 = tpu.vector_load %arg11[%get3A_155, %get3A_156] {strides = array<i32>} : memref<16x1024xf32, #tpu.memory_space<vmem>>, vector<16xf32>,
      %add3A_158 = arith.addf %add3A_151, %get3A_157 : vector<16xf32>
      %mul3A_159 = arith.constant 16 : i32
      %mul3A_160 = arith.muli %scan3A_61, %mul3A_159 : i32
      %get3A_161 = arith.constant 14 : i32
      %get3A_162 = arith.index_cast %get3A_161 : i32 to index
      %get3A_163 = arith.index_cast %mul3A_160 : i32 to index
      %get3A_164 = tpu.vector_load %arg11[%get3A_162, %get3A_163] {strides = array<i32>} : memref<16x1024xf32, #tpu.memory_space<vmem>>, vector<16xf32>,
      %add3A_165 = arith.addf %add3A_158, %get3A_164 : vector<16xf32>
      %mul3A_166 = arith.constant 16 : i32
      %mul3A_167 = arith.muli %scan3A_61, %mul3A_166 : i32
      %get3A_168 = arith.constant 15 : i32
      %get3A_169 = arith.index_cast %get3A_168 : i32 to index
      %get3A_170 = arith.index_cast %mul3A_167 : i32 to index
      %get3A_171 = tpu.vector_load %arg11[%get3A_169, %get3A_170] {strides = array<i32>} : memref<16x1024xf32, #tpu.memory_space<vmem>>, vector<16xf32>,
      %add3A_172 = arith.addf %add3A_165, %get3A_171 : vector<16xf32>
      %mul3A_173 = arith.constant 16 : i32
      %mul3A_174 = arith.muli %scan3A_61, %mul3A_173 : i32
      %swap3A = arith.index_cast %mul3A_174 : i32 to index
      %swap3A_175 = tpu.vector_load %arg12[%swap3A] {strides = array<i32>} : memref<1024xf32, #tpu.memory_space<vmem>>, vector<16xf32>,
      tpu.vector_store %arg12[%swap3A], %add3A_172 {strides = array<i32>} : memref<1024xf32, #tpu.memory_space<vmem>>, vector<16xf32>,
      %scan3A_176 = arith.constant 0 : i32
      scf.yield %scan3A_176 : i32
    }
    %scan3A_58 = arith.constant 64 : i32
    %mul3A_59 = arith.constant 1024 : i32
    %mul3A_60 = arith.muli %arg1, %mul3A_59 : i32
    "tpu.region"() ({
      %run_scoped3A = tpu.sem_alloc : memref<!tpu.dma_semaphore, #tpu.memory_space<semaphore_mem>>
      %dma_start3A_61 = tpu.memref_slice %arg5[%arg0, %mul3A_60] : memref<2x16384xf32, #tpu.memory_space<hbm>> -> memref<1x1024xf32, #tpu.memory_space<hbm>>
      %dma_start3A_62 = tpu.memref_squeeze %dma_start3A_61 : memref<1x1024xf32, #tpu.memory_space<hbm>> -> memref<1024xf32, #tpu.memory_space<hbm>>
      %dma_start3A_63 = tpu.memref_slice %arg5[%arg0, %mul3A_60] : memref<2x16384xf32, #tpu.memory_space<hbm>> -> memref<1x1024xf32, #tpu.memory_space<hbm>>
      %dma_start3A_64 = tpu.memref_squeeze %dma_start3A_63 : memref<1x1024xf32, #tpu.memory_space<hbm>> -> memref<1024xf32, #tpu.memory_space<hbm>>
      tpu.enqueue_dma source(%arg12 : memref<1024xf32, #tpu.memory_space<vmem>>) target(%dma_start3A_64 : memref<1024xf32, #tpu.memory_space<hbm>>) target_semaphore(%run_scoped3A : memref<!tpu.dma_semaphore, #tpu.memory_space<semaphore_mem>>)
      %dma_wait3A = tpu.memref_slice %arg5[%arg0, %mul3A_60] : memref<2x16384xf32, #tpu.memory_space<hbm>> -> memref<1x1024xf32, #tpu.memory_space<hbm>>
      %dma_wait3A_65 = tpu.memref_squeeze %dma_wait3A : memref<1x1024xf32, #tpu.memory_space<hbm>> -> memref<1024xf32, #tpu.memory_space<hbm>>
      %dma_wait3A_66 = tpu.memref_slice %arg5[%arg0, %mul3A_60] : memref<2x16384xf32, #tpu.memory_space<hbm>> -> memref<1x1024xf32, #tpu.memory_space<hbm>>
      %dma_wait3A_67 = tpu.memref_squeeze %dma_wait3A_66 : memref<1x1024xf32, #tpu.memory_space<hbm>> -> memref<1024xf32, #tpu.memory_space<hbm>>
      tpu.wait_dma2 semaphore(%run_scoped3A : memref<!tpu.dma_semaphore, #tpu.memory_space<semaphore_mem>>) src(%arg12 : memref<1024xf32, #tpu.memory_space<vmem>>) dst(%dma_wait3A_67 : memref<1024xf32, #tpu.memory_space<hbm>>)
      tpu.yield
    }) : () -> ()
    return
  }
}

#map = affine_map<(d0, d1) -> (0, 0)>
#map1 = affine_map<(d0, d1) -> (0)>
module attributes {stable_mosaic.version = 14 : i64} {
  func.func @_compact_body(%arg0: i32, %arg1: i32, %arg2: memref<2x16384xf32, #tpu.memory_space<hbm>>, %arg3: memref<12288xf32, #tpu.memory_space<hbm>>, %arg4: memref<16xi32, #tpu.memory_space<hbm>>, %arg5: memref<16384xf32, #tpu.memory_space<vmem>>, %arg6: memref<16384xf32, #tpu.memory_space<vmem>>, %arg7: memref<12288xf32, #tpu.memory_space<vmem>>, %arg8: memref<16xi32, #tpu.memory_space<vmem>>) attributes {dimension_semantics = [#tpu.dimension_semantics<core_parallel>, #tpu.dimension_semantics<subcore_parallel>], iteration_bounds = array<i64: 2, 16>, scalar_prefetch = 0 : i64, scratch_operands = 4 : i64, tpu.core_type = #tpu.core_type<sc_vector_subcore>, window_params = [{transform_indices = #map}, {transform_indices = #map1}, {transform_indices = #map1}]} {
    %mul3A = arith.constant 16 : i32
    %mul3A_0 = arith.muli %arg0, %mul3A : i32
    %add3A = arith.addi %mul3A_0, %arg1 : i32
    %broadcast_in_dim3A = arith.constant 0.000000e+00 : f32
    %broadcast_in_dim3A_1 = vector.broadcast %broadcast_in_dim3A : f32 to vector<16xf32>
    %eq3A = arith.constant 0 : i32
    %eq3A_2 = arith.cmpi eq, %add3A, %eq3A : i32
    %convert_element_type3A = arith.extui %eq3A_2 : i1 to i32
    %cond3A = arith.constant 0 : i32
    %cond3A_3 = arith.cmpi ne, %convert_element_type3A, %cond3A : i32
    scf.if %cond3A_3 {
      %run_scoped3A = arith.constant 0 : i32
      "tpu.region"() ({
        %run_scoped3A_35 = tpu.sem_alloc : memref<!tpu.dma_semaphore, #tpu.memory_space<semaphore_mem>>
        %dma_start3A = arith.constant 0 : i32
        %dma_start3A_36 = tpu.memref_slice %arg2[%run_scoped3A, %dma_start3A] : memref<2x16384xf32, #tpu.memory_space<hbm>> -> memref<1x16384xf32, #tpu.memory_space<hbm>>
        %dma_start3A_37 = tpu.memref_squeeze %dma_start3A_36 : memref<1x16384xf32, #tpu.memory_space<hbm>> -> memref<16384xf32, #tpu.memory_space<hbm>>
        %dma_start3A_38 = arith.constant 0 : i32
        %dma_start3A_39 = tpu.memref_slice %arg2[%run_scoped3A, %dma_start3A_38] : memref<2x16384xf32, #tpu.memory_space<hbm>> -> memref<1x16384xf32, #tpu.memory_space<hbm>>
        %dma_start3A_40 = tpu.memref_squeeze %dma_start3A_39 : memref<1x16384xf32, #tpu.memory_space<hbm>> -> memref<16384xf32, #tpu.memory_space<hbm>>
        tpu.enqueue_dma source(%dma_start3A_40 : memref<16384xf32, #tpu.memory_space<hbm>>) target(%arg5 : memref<16384xf32, #tpu.memory_space<vmem>>) target_semaphore(%run_scoped3A_35 : memref<!tpu.dma_semaphore, #tpu.memory_space<semaphore_mem>>)
        %dma_wait3A = arith.constant 0 : i32
        %dma_wait3A_41 = tpu.memref_slice %arg2[%run_scoped3A, %dma_wait3A] : memref<2x16384xf32, #tpu.memory_space<hbm>> -> memref<1x16384xf32, #tpu.memory_space<hbm>>
        %dma_wait3A_42 = tpu.memref_squeeze %dma_wait3A_41 : memref<1x16384xf32, #tpu.memory_space<hbm>> -> memref<16384xf32, #tpu.memory_space<hbm>>
        %dma_wait3A_43 = arith.constant 0 : i32
        %dma_wait3A_44 = tpu.memref_slice %arg2[%run_scoped3A, %dma_wait3A_43] : memref<2x16384xf32, #tpu.memory_space<hbm>> -> memref<1x16384xf32, #tpu.memory_space<hbm>>
        %dma_wait3A_45 = tpu.memref_squeeze %dma_wait3A_44 : memref<1x16384xf32, #tpu.memory_space<hbm>> -> memref<16384xf32, #tpu.memory_space<hbm>>
        tpu.wait_dma2 semaphore(%run_scoped3A_35 : memref<!tpu.dma_semaphore, #tpu.memory_space<semaphore_mem>>) src(%dma_wait3A_45 : memref<16384xf32, #tpu.memory_space<hbm>>) dst(%arg5 : memref<16384xf32, #tpu.memory_space<vmem>>)
        tpu.yield
      }) : () -> ()
      %run_scoped3A_4 = arith.constant 1 : i32
      "tpu.region"() ({
        %run_scoped3A_35 = tpu.sem_alloc : memref<!tpu.dma_semaphore, #tpu.memory_space<semaphore_mem>>
        %dma_start3A = arith.constant 0 : i32
        %dma_start3A_36 = tpu.memref_slice %arg2[%run_scoped3A_4, %dma_start3A] : memref<2x16384xf32, #tpu.memory_space<hbm>> -> memref<1x16384xf32, #tpu.memory_space<hbm>>
        %dma_start3A_37 = tpu.memref_squeeze %dma_start3A_36 : memref<1x16384xf32, #tpu.memory_space<hbm>> -> memref<16384xf32, #tpu.memory_space<hbm>>
        %dma_start3A_38 = arith.constant 0 : i32
        %dma_start3A_39 = tpu.memref_slice %arg2[%run_scoped3A_4, %dma_start3A_38] : memref<2x16384xf32, #tpu.memory_space<hbm>> -> memref<1x16384xf32, #tpu.memory_space<hbm>>
        %dma_start3A_40 = tpu.memref_squeeze %dma_start3A_39 : memref<1x16384xf32, #tpu.memory_space<hbm>> -> memref<16384xf32, #tpu.memory_space<hbm>>
        tpu.enqueue_dma source(%dma_start3A_40 : memref<16384xf32, #tpu.memory_space<hbm>>) target(%arg6 : memref<16384xf32, #tpu.memory_space<vmem>>) target_semaphore(%run_scoped3A_35 : memref<!tpu.dma_semaphore, #tpu.memory_space<semaphore_mem>>)
        %dma_wait3A = arith.constant 0 : i32
        %dma_wait3A_41 = tpu.memref_slice %arg2[%run_scoped3A_4, %dma_wait3A] : memref<2x16384xf32, #tpu.memory_space<hbm>> -> memref<1x16384xf32, #tpu.memory_space<hbm>>
        %dma_wait3A_42 = tpu.memref_squeeze %dma_wait3A_41 : memref<1x16384xf32, #tpu.memory_space<hbm>> -> memref<16384xf32, #tpu.memory_space<hbm>>
        %dma_wait3A_43 = arith.constant 0 : i32
        %dma_wait3A_44 = tpu.memref_slice %arg2[%run_scoped3A_4, %dma_wait3A_43] : memref<2x16384xf32, #tpu.memory_space<hbm>> -> memref<1x16384xf32, #tpu.memory_space<hbm>>
        %dma_wait3A_45 = tpu.memref_squeeze %dma_wait3A_44 : memref<1x16384xf32, #tpu.memory_space<hbm>> -> memref<16384xf32, #tpu.memory_space<hbm>>
        tpu.wait_dma2 semaphore(%run_scoped3A_35 : memref<!tpu.dma_semaphore, #tpu.memory_space<semaphore_mem>>) src(%dma_wait3A_45 : memref<16384xf32, #tpu.memory_space<hbm>>) dst(%arg6 : memref<16384xf32, #tpu.memory_space<vmem>>)
        tpu.yield
      }) : () -> ()
      %scan3A = arith.constant 0 : i32
      %scan3A_5 = arith.constant 0 : i32
      %scan3A_6 = arith.constant 1024 : i32
      %scan3A_7 = arith.addi %scan3A_5, %scan3A_6 : i32
      %scan3A_8 = arith.constant 1 : i32
      %scan3A_9 = scf.for %scan3A_35 = %scan3A_5 to %scan3A_7 step %scan3A_8 iter_args(%scan3A_36 = %scan3A) -> (i32)  : i32 {
        %mul3A_37 = arith.constant 16 : i32
        %mul3A_38 = arith.muli %scan3A_35, %mul3A_37 : i32
        %get3A = arith.index_cast %mul3A_38 : i32 to index
        %get3A_39 = tpu.vector_load %arg5[%get3A] {strides = array<i32>} : memref<16384xf32, #tpu.memory_space<vmem>>, vector<16xf32>,
        %mul3A_40 = arith.constant 16 : i32
        %mul3A_41 = arith.muli %scan3A_35, %mul3A_40 : i32
        %get3A_42 = arith.index_cast %mul3A_41 : i32 to index
        %get3A_43 = tpu.vector_load %arg6[%get3A_42] {strides = array<i32>} : memref<16384xf32, #tpu.memory_space<vmem>>, vector<16xf32>,
        %add3A_44 = arith.addf %get3A_39, %get3A_43 : vector<16xf32>
        %mul3A_45 = arith.constant 16 : i32
        %mul3A_46 = arith.muli %scan3A_35, %mul3A_45 : i32
        %swap3A_47 = arith.index_cast %mul3A_46 : i32 to index
        %swap3A_48 = tpu.vector_load %arg5[%swap3A_47] {strides = array<i32>} : memref<16384xf32, #tpu.memory_space<vmem>>, vector<16xf32>,
        tpu.vector_store %arg5[%swap3A_47], %add3A_44 {strides = array<i32>} : memref<16384xf32, #tpu.memory_space<vmem>>, vector<16xf32>,
        %scan3A_49 = arith.constant 0 : i32
        scf.yield %scan3A_49 : i32
      }
      %scan3A_10 = arith.constant 1024 : i32
      %scan3A_11 = arith.constant 0 : i32
      %scan3A_12 = arith.constant 0 : i32
      %scan3A_13 = arith.constant 768 : i32
      %scan3A_14 = arith.addi %scan3A_12, %scan3A_13 : i32
      %scan3A_15 = arith.constant 1 : i32
      %scan3A_16 = scf.for %scan3A_35 = %scan3A_12 to %scan3A_14 step %scan3A_15 iter_args(%scan3A_36 = %scan3A_11) -> (i32)  : i32 {
        %mul3A_37 = arith.constant 16 : i32
        %mul3A_38 = arith.muli %scan3A_35, %mul3A_37 : i32
        %swap3A_39 = arith.index_cast %mul3A_38 : i32 to index
        %swap3A_40 = tpu.vector_load %arg7[%swap3A_39] {strides = array<i32>} : memref<12288xf32, #tpu.memory_space<vmem>>, vector<16xf32>,
        tpu.vector_store %arg7[%swap3A_39], %broadcast_in_dim3A_1 {strides = array<i32>} : memref<12288xf32, #tpu.memory_space<vmem>>, vector<16xf32>,
        %scan3A_41 = arith.constant 0 : i32
        scf.yield %scan3A_41 : i32
      }
      %scan3A_17 = arith.constant 768 : i32
      %iota3A = tpu.iota {dimensions = array<i32: 0>} : vector<16xi32>
      %add3A_18 = arith.constant 8 : i32
      %add3A_19 = vector.broadcast %add3A_18 : i32 to vector<16xi32>
      %add3A_20 = arith.addi %iota3A, %add3A_19 : vector<16xi32>
      %and3A = arith.constant 15 : i32
      %and3A_21 = vector.broadcast %and3A : i32 to vector<16xi32>
      %and3A_22 = arith.andi %add3A_20, %and3A_21 : vector<16xi32>
      %mul3A_23 = arith.constant 4 : i32
      %mul3A_24 = vector.broadcast %mul3A_23 : i32 to vector<16xi32>
      %mul3A_25 = arith.muli %and3A_22, %mul3A_24 : vector<16xi32>
      %broadcast_in_dim3A_26 = arith.constant 0 : i32
      %broadcast_in_dim3A_27 = vector.broadcast %broadcast_in_dim3A_26 : i32 to vector<16xi32>
      %scan3A_28 = arith.constant 0 : i32
      %scan3A_29 = arith.constant 256 : i32
      %scan3A_30 = arith.addi %scan3A_28, %scan3A_29 : i32
      %scan3A_31 = arith.constant 1 : i32
      %scan3A_32 = scf.for %scan3A_35 = %scan3A_28 to %scan3A_30 step %scan3A_31 iter_args(%scan3A_36 = %broadcast_in_dim3A_27) -> (vector<16xi32>)  : i32 {
        %jit3A = arith.constant 16 : i32
        %div3A = arith.divsi %scan3A_35, %jit3A : i32
        %sign3A = arith.constant 0 : i32
        %sign3A_37 = arith.cmpi sgt, %scan3A_35, %sign3A : i32
        %sign3A_38 = arith.extui %sign3A_37 : i1 to i32
        %sign3A_39 = arith.constant 0 : i32
        %sign3A_40 = arith.cmpi slt, %scan3A_35, %sign3A_39 : i32
        %sign3A_41 = arith.extui %sign3A_40 : i1 to i32
        %sign3A_42 = arith.subi %sign3A_38, %sign3A_41 : i32
        %sign3A_43 = arith.constant 0 : i32
        %sign3A_44 = arith.cmpi sgt, %jit3A, %sign3A_43 : i32
        %sign3A_45 = arith.extui %sign3A_44 : i1 to i32
        %sign3A_46 = arith.constant 0 : i32
        %sign3A_47 = arith.cmpi slt, %jit3A, %sign3A_46 : i32
        %sign3A_48 = arith.extui %sign3A_47 : i1 to i32
        %sign3A_49 = arith.subi %sign3A_45, %sign3A_48 : i32
        %ne3A = arith.cmpi ne, %sign3A_42, %sign3A_49 : i32
        %rem3A = arith.remsi %scan3A_35, %jit3A : i32
        %ne3A_50 = arith.constant 0 : i32
        %ne3A_51 = arith.cmpi ne, %rem3A, %ne3A_50 : i32
        %and3A_52 = arith.andi %ne3A, %ne3A_51 : i1
        %sub3A = arith.constant 1 : i32
        %sub3A_53 = arith.subi %div3A, %sub3A : i32
        %select_n3A = arith.select %and3A_52, %sub3A_53, %div3A : i32
        %add3A_54 = arith.constant 8 : i32
        %add3A_55 = arith.addi %select_n3A, %add3A_54 : i32
        %and3A_56 = arith.constant 15 : i32
        %and3A_57 = arith.andi %add3A_55, %and3A_56 : i32
        %jit3A_58 = arith.constant 16 : i32
        %eq3A_59 = arith.constant 0 : i32
        %eq3A_60 = arith.cmpi eq, %jit3A_58, %eq3A_59 : i32
        %jit3A_61 = arith.constant 1 : i32
        %select_n3A_62 = arith.select %eq3A_60, %jit3A_61, %jit3A_58 : i32
        %rem3A_63 = arith.remsi %scan3A_35, %select_n3A_62 : i32
        %ne3A_64 = arith.constant 0 : i32
        %ne3A_65 = arith.cmpi ne, %rem3A_63, %ne3A_64 : i32
        %lt3A = arith.constant 0 : i32
        %lt3A_66 = arith.cmpi slt, %rem3A_63, %lt3A : i32
        %lt3A_67 = arith.constant 0 : i32
        %lt3A_68 = arith.cmpi slt, %select_n3A_62, %lt3A_67 : i32
        %ne3A_69 = arith.xori %lt3A_66, %lt3A_68 : i1
        %and3A_70 = arith.andi %ne3A_69, %ne3A_65 : i1
        %add3A_71 = arith.addi %rem3A_63, %select_n3A_62 : i32
        %select_n3A_72 = arith.select %and3A_70, %add3A_71, %rem3A_63 : i32
        %add3A_73 = arith.constant 8 : i32
        %add3A_74 = arith.addi %select_n3A_72, %add3A_73 : i32
        %and3A_75 = arith.constant 15 : i32
        %and3A_76 = arith.andi %add3A_74, %and3A_75 : i32
        %mul3A_77 = arith.constant 16 : i32
        %mul3A_78 = arith.muli %and3A_57, %mul3A_77 : i32
        %add3A_79 = arith.addi %mul3A_78, %and3A_76 : i32
        %mul3A_80 = arith.constant 64 : i32
        %mul3A_81 = arith.muli %add3A_79, %mul3A_80 : i32
        %add3A_82 = vector.broadcast %mul3A_81 : i32 to vector<16xi32>
        %add3A_83 = arith.addi %add3A_82, %mul3A_25 : vector<16xi32>
        %add3A_84 = arith.constant 3 : i32
        %add3A_85 = vector.broadcast %add3A_84 : i32 to vector<16xi32>
        %add3A_86 = arith.addi %add3A_83, %add3A_85 : vector<16xi32>
        %gather3A = tpu.vector_load_idx %arg5[%add3A_86] : memref<16384xf32, #tpu.memory_space<vmem>>[vector<16xi32>], vector<16xf32>,
        %gt3A = arith.constant 0.000000e+00 : f32
        %gt3A_87 = vector.broadcast %gt3A : f32 to vector<16xf32>
        %gt3A_88 = arith.cmpf ogt, %gather3A, %gt3A_87 : vector<16xf32>
        %convert_element_type3A_89 = arith.extui %gt3A_88 : vector<16xi1> to vector<16xi32>
        %broadcast_in_dim3A_90 = arith.constant true
        %broadcast_in_dim3A_91 = vector.broadcast %broadcast_in_dim3A_90 : i1 to vector<16xi1>
        %masked_cumsum3A = tpu.scan <sum>, %convert_element_type3A_89 masked %broadcast_in_dim3A_91 : vector<16xi32>, vector<16xi1> -> vector<16xi32>
        %add3A_92 = arith.addi %scan3A_36, %masked_cumsum3A : vector<16xi32>
        %sub3A_93 = arith.constant 1 : i32
        %sub3A_94 = vector.broadcast %sub3A_93 : i32 to vector<16xi32>
        %sub3A_95 = arith.subi %add3A_92, %sub3A_94 : vector<16xi32>
        %add3A_96 = arith.constant 0 : i32
        %add3A_97 = vector.broadcast %add3A_96 : i32 to vector<16xi32>
        %add3A_98 = arith.addi %add3A_83, %add3A_97 : vector<16xi32>
        %gather3A_99 = tpu.vector_load_idx %arg5[%add3A_98] : memref<16384xf32, #tpu.memory_space<vmem>>[vector<16xi32>], vector<16xf32>,
        %div3A_100 = arith.divf %gather3A_99, %gather3A : vector<16xf32>
        %add3A_101 = arith.constant 0 : i32
        %add3A_102 = vector.broadcast %add3A_101 : i32 to vector<16xi32>
        %add3A_103 = arith.addi %sub3A_95, %add3A_102 : vector<16xi32>
        tpu.vector_store_idx %arg7[%add3A_103], %div3A_100 masked %gt3A_88 : memref<12288xf32, #tpu.memory_space<vmem>>[vector<16xi32>], vector<16xf32>, vector<16xi1>
        %add3A_104 = arith.constant 1 : i32
        %add3A_105 = vector.broadcast %add3A_104 : i32 to vector<16xi32>
        %add3A_106 = arith.addi %add3A_83, %add3A_105 : vector<16xi32>
        %gather3A_107 = tpu.vector_load_idx %arg5[%add3A_106] : memref<16384xf32, #tpu.memory_space<vmem>>[vector<16xi32>], vector<16xf32>,
        %div3A_108 = arith.divf %gather3A_107, %gather3A : vector<16xf32>
        %add3A_109 = arith.constant 4096 : i32
        %add3A_110 = vector.broadcast %add3A_109 : i32 to vector<16xi32>
        %add3A_111 = arith.addi %sub3A_95, %add3A_110 : vector<16xi32>
        tpu.vector_store_idx %arg7[%add3A_111], %div3A_108 masked %gt3A_88 : memref<12288xf32, #tpu.memory_space<vmem>>[vector<16xi32>], vector<16xf32>, vector<16xi1>
        %add3A_112 = arith.constant 2 : i32
        %add3A_113 = vector.broadcast %add3A_112 : i32 to vector<16xi32>
        %add3A_114 = arith.addi %add3A_83, %add3A_113 : vector<16xi32>
        %gather3A_115 = tpu.vector_load_idx %arg5[%add3A_114] : memref<16384xf32, #tpu.memory_space<vmem>>[vector<16xi32>], vector<16xf32>,
        %div3A_116 = arith.divf %gather3A_115, %gather3A : vector<16xf32>
        %add3A_117 = arith.constant 8192 : i32
        %add3A_118 = vector.broadcast %add3A_117 : i32 to vector<16xi32>
        %add3A_119 = arith.addi %sub3A_95, %add3A_118 : vector<16xi32>
        tpu.vector_store_idx %arg7[%add3A_119], %div3A_116 masked %gt3A_88 : memref<12288xf32, #tpu.memory_space<vmem>>[vector<16xi32>], vector<16xf32>, vector<16xi1>
        %all_reduce_population_count3A = tpu.all_reduce %gt3A_88 {dim = 0 : i64, kind = #tpu.reduction_kind<sum>} : vector<16xi1> -> vector<16xi32>
        %add3A_120 = arith.addi %scan3A_36, %all_reduce_population_count3A : vector<16xi32>
        scf.yield %add3A_120 : vector<16xi32>
      }
      %scan3A_33 = arith.constant 256 : i32
      %swap3A = arith.constant 0 : index
      %swap3A_34 = tpu.vector_load %arg8[%swap3A] {strides = array<i32>} : memref<16xi32, #tpu.memory_space<vmem>>, vector<16xi32>,
      tpu.vector_store %arg8[%swap3A], %scan3A_32 {strides = array<i32>} : memref<16xi32, #tpu.memory_space<vmem>>, vector<16xi32>,
      "tpu.region"() ({
        %run_scoped3A_35 = tpu.sem_alloc : memref<!tpu.dma_semaphore, #tpu.memory_space<semaphore_mem>>
        tpu.enqueue_dma source(%arg8 : memref<16xi32, #tpu.memory_space<vmem>>) target(%arg4 : memref<16xi32, #tpu.memory_space<hbm>>) target_semaphore(%run_scoped3A_35 : memref<!tpu.dma_semaphore, #tpu.memory_space<semaphore_mem>>)
        tpu.wait_dma2 semaphore(%run_scoped3A_35 : memref<!tpu.dma_semaphore, #tpu.memory_space<semaphore_mem>>) src(%arg8 : memref<16xi32, #tpu.memory_space<vmem>>) dst(%arg4 : memref<16xi32, #tpu.memory_space<hbm>>)
        tpu.yield
      }) : () -> ()
      "tpu.region"() ({
        %run_scoped3A_35 = tpu.sem_alloc : memref<!tpu.dma_semaphore, #tpu.memory_space<semaphore_mem>>
        tpu.enqueue_dma source(%arg7 : memref<12288xf32, #tpu.memory_space<vmem>>) target(%arg3 : memref<12288xf32, #tpu.memory_space<hbm>>) target_semaphore(%run_scoped3A_35 : memref<!tpu.dma_semaphore, #tpu.memory_space<semaphore_mem>>)
        tpu.wait_dma2 semaphore(%run_scoped3A_35 : memref<!tpu.dma_semaphore, #tpu.memory_space<semaphore_mem>>) src(%arg7 : memref<12288xf32, #tpu.memory_space<vmem>>) dst(%arg3 : memref<12288xf32, #tpu.memory_space<hbm>>)
        tpu.yield
      }) : () -> ()
    } else {
    }
    return
  }
}

</mosaic_0001>

<sc_bundles>
// kernel: kernel.4.cloned.1.call-start
scs
__scs_entry_jumppad:
0x0: {  	(pc) =	sbr.rel $0x88, $3  }
0x1: {  	(tag) =	ssettag $0x0;
	lr =	simm.s32 $0x1  }
0x2: {  	[smem:$0x3F9F] =	sst lr;
	_ =	strace $0xD0000000  }
0x3: {  	_ = 	snop  }
0x4: {  	_ = 	snop  }
0x5: {  	_ = 	snop  }
0x6: {  	_ = 	snop  }
0x7: {  	_ = 	snop  }
__scs_overlays_trampoline_lowered:
0x8: {  	[smem:$0x3FAE] =	sst s0  }
0x9: {  	[smem:$0x3FAF] =	sst s1  }
0xa: {  	[smem:$0x3FB0] =	sst s2  }
0xb: {  	[smem:$0x3FB1] =	sst s3  }
0xc: {  	[smem:$0x3FB2] =	sst s4  }
0xd: {  	[smem:$0x3FB3] =	sst s5  }
0xe: {  	[smem:$0x3FB4] =	sst s6  }
0xf: {  	[smem:$0x3FB5] =	sst s7  }
0x10: {  	[smem:$0x3FB6] =	sst s8  }
0x11: {  	[smem:$0x3FB7] =	sst s9;
	s0 =	simm.s32 @!p0 $0x0  }
0x12: {  	s1 =	sld [smem:$0x3F9D];
	s0 =	simm.s32 @p0 $0x1  }
0x13: {  	[smem:$0x3FB8] =	sst s0;
	s0 =	simm.s32 @!p1 $0x0  }
0x14: {  	s2 =	sld [smem:$0x3F9C];
	s0 =	simm.s32 @p1 $0x1  }
0x15: {  	[smem:$0x3FB9] =	sst s0;
	s0 =	simm.s32 @!p2 $0x0  }
0x16: {  	s3 =	sld [smem:$0x3FDB];
	s0 =	simm.s32 @p2 $0x1  }
0x17: {  	s4 =	simm.s32 $0x1BF5;
	[smem:$0x3FBB] =	sst s0  }
0x18: {  	s0 =	sld [smem:$0x3F9E];
	_ =	swait.ge [sflag:s4], $0x0  }
0x19: {  	s7 =	sld [smem:$0x3F9F]  }
0x1a: {  	s8 =	sadd.s32 $0xFFFFE003, lr  }
0x1b: {  	s9 =	sadd.s32 $0xFFFFFEF7, lr;
	s5 =	simm.s32 $0xFFFFFFFF;
	p2 =	slt.u32 s8, $0xFFFFF086  }
0x1c: {  	p1 =	slt.u32 s9, $0xF7A;
	s5 =	simm.s32 @!p2 $0x0  }
0x1d: {  	s5 =	simm.s32 @p1 $0x1;
	p0 =	seq.s32 s7, s2  }
0x1e: {  	s7 =	smul.u32 @!p0 $0xF7A, s2;
	p2 =	seq.s32 @!p0 s5, $0x0  }
0x1f: {  	s9 =	smul.u32 $0xF7A, s1;
	s8 =	simm.s32 @!p0 $0x1BF5;
	p2 =	por !p2, p0  }
0x20: {  	[sflag:s8] =	ssyncset.s32 @!p0 $0xFFFFF086;
	s6 =	sadd.s32 @!p0 s3, s7;
	s7 =	simm.s32 @!p0 $0x108  }
0x21: {  	s3 =	sadd.s32 s3, s9;
	s6 =	sadd.s32 @!p0 $0x88, s6;
	s7 =	simm.s32 @p2 $0x1082  }
0x22: {  	[simem:s7], [sflag:s8] =	dma.local @!p0 [hbm:s6], $0xF7A  }
0x23: {  	s9 =	sor.u32 $0xD0000000, s2;
	s6 =	simm.s32 $0x108;
	_ =	swait.ge @!p0 [sflag:s8], $0x0  }
0x24: {  	s3 =	sadd.s32 $0x88, s3;
	s6 =	simm.s32 @!p1 $0x1082;
	[sflag:s4] =	ssyncset.s32 $0xFFFFF086  }
0x25: {  	[simem:s6], [sflag:s4] =	dma.local [hbm:s3], $0xF7A  }
0x26: {  	[smem:$0x3F9F] =	sst s1;
	(tag) =	ssettag s2;
	_ =	strace s9  }
0x27: {  	s1 =	sld [smem:$0x3FAF]  }
0x28: {  	s2 =	sld [smem:$0x3FB0]  }
0x29: {  	s4 =	sld [smem:$0x3FB2]  }
0x2a: {  	p0 =	seq.s32 s5, $0x0;
	s5 =	sld [smem:$0x3FB3]  }
0x2b: {  	s6 =	sld [smem:$0x3FB4]  }
0x2c: {  	s7 =	sld [smem:$0x3FB5]  }
0x2d: {  	s3 =	simm.s32 $0x108;
	s8 =	sld [smem:$0x3FB6]  }
0x2e: {  	s3 =	simm.s32 @!p0 $0x1082;
	s9 =	sld [smem:$0x3FB7]  }
0x2f: {  	lr =	sadd.s32 s0, s3;
	s0 =	sld [smem:$0x3FAE]  }
0x30: {  	s3 =	sld [smem:$0x3FB1]  }
0x31: {  	[smem:$0x3FBA] =	sst s10  }
0x32: {  	s10 =	sld [smem:$0x3FB8];
	_ =	sdelay $0x3  }
0x33: {  	p0 =	seq.s32 s10, $0x1;
	s10 =	sld [smem:$0x3FBA];
	_ =	sdelay $0x3  }
0x34: {  	[smem:$0x3FBA] =	sst s10  }
0x35: {  	s10 =	sld [smem:$0x3FB9];
	_ =	sdelay $0x3  }
0x36: {  	p1 =	seq.s32 s10, $0x1;
	s10 =	sld [smem:$0x3FBA];
	_ =	sdelay $0x3  }
0x37: {  	[smem:$0x3FBA] =	sst s10  }
0x38: {  	s10 =	sld [smem:$0x3FBB]  }
0x39: {  	_ = 	snop;
	(pc) =	sbr.ind lr, $3  }
0x3a: {  	_ = 	snop  }
0x3b: {  	_ = 	snop  }
0x3c: {  	p2 =	seq.s32 s10, $0x1;
	s10 =	sld [smem:$0x3FBA]  }
0x3d: {  	_ =	shalt  }
0x3e: {  	_ =	shalt  }
0x3f: {  	_ =	shalt  }
0x40: {  	_ =	shalt  }
0x41: {  	_ =	shalt  }
0x42: {  	_ =	shalt  }
0x43: {  	_ =	shalt  }
0x44: {  	_ =	shalt  }
0x45: {  	_ =	shalt  }
0x46: {  	_ =	shalt  }
0x47: {  	_ =	shalt  }
0x48: {  	_ =	shalt  }
0x49: {  	_ =	shalt  }
0x4a: {  	_ =	shalt  }
0x4b: {  	_ =	shalt  }
0x4c: {  	_ =	shalt  }
0x4d: {  	_ =	shalt  }
0x4e: {  	_ =	shalt  }
0x4f: {  	_ =	shalt  }
0x50: {  	_ =	shalt  }
0x51: {  	_ =	shalt  }
0x52: {  	_ =	shalt  }
0x53: {  	_ =	shalt  }
0x54: {  	_ =	shalt  }
0x55: {  	_ =	shalt  }
0x56: {  	_ =	shalt  }
0x57: {  	_ =	shalt  }
0x58: {  	_ =	shalt  }
0x59: {  	_ =	shalt  }
0x5a: {  	_ =	shalt  }
0x5b: {  	_ =	shalt  }
0x5c: {  	_ =	shalt  }
0x5d: {  	_ =	shalt  }
0x5e: {  	_ =	shalt  }
0x5f: {  	_ =	shalt  }
0x60: {  	_ =	shalt  }
0x61: {  	_ =	shalt  }
0x62: {  	_ =	shalt  }
0x63: {  	_ =	shalt  }
0x64: {  	_ =	shalt  }
0x65: {  	_ =	shalt  }
0x66: {  	_ =	shalt  }
0x67: {  	_ =	shalt  }
0x68: {  	_ =	shalt  }
0x69: {  	_ =	shalt  }
0x6a: {  	_ =	shalt  }
0x6b: {  	_ =	shalt  }
0x6c: {  	_ =	shalt  }
0x6d: {  	_ =	shalt  }
0x6e: {  	_ =	shalt  }
0x6f: {  	_ =	shalt  }
0x70: {  	_ =	shalt  }
0x71: {  	_ =	shalt  }
0x72: {  	_ =	shalt  }
0x73: {  	_ =	shalt  }
0x74: {  	_ =	shalt  }
0x75: {  	_ =	shalt  }
0x76: {  	_ =	shalt  }
0x77: {  	_ =	shalt  }
0x78: {  	_ =	shalt  }
0x79: {  	_ =	shalt  }
0x7a: {  	_ =	shalt  }
0x7b: {  	_ =	shalt  }
0x7c: {  	_ =	shalt  }
0x7d: {  	_ =	shalt  }
0x7e: {  	_ =	shalt  }
0x7f: {  	_ =	shalt  }
0x80: {  	_ =	shalt  }
0x81: {  	_ =	shalt  }
0x82: {  	_ =	shalt  }
0x83: {  	_ =	shalt  }
0x84: {  	_ =	shalt  }
0x85: {  	_ =	shalt  }
0x86: {  	_ =	shalt  }
0x87: {  	_ =	shalt  }
.Lfunc_end0:
.L_simem_size_0:
called_computation_lowered:
.L_overlay_start_0:
0x88: {  	s2 =	sld [smem:$0x3FD9]  }
0x89: {  	s3 =	sld [smem:$0x3FFE];
	_ =	sdelay $0x1  }
0x8a: {  	s1 =	srdreg.scid  }
0x8b: {  	s0 =	sand.u32 $0x1, s1  }
0x8c: {  	s14 =	sshll.u32 s0, $0xA;
	s2 =	sadd.s32 s3, s2  }
0x8d: {  	s2 =	sadd.s32 s2, s14  }
0x8e: {  	[smem:$0x3FC6] =	sst s2  }
0x8f: {  	_ = 	snop  }
0x90: {  	s2 =	sld [smem:$0x3FD0];
	_ =	sdelay $0x2  }
0x91: {  	s15 =	simm.s32 $0xA;
	s4 =	simm.s32 $0x10  }
0x92: {  	[smem:s4], [sflag:s15] =	dma.local [hbm:s2], $0x1  }
0x93: {  	_ =	swait.eq [sflag:s15], $0x1  }
0x94: {  	[sflag:s15] =	ssyncset.done $0x0  }
0x95: {  	s16 =	sld [smem:$0x10];
	[sflag:s15] =	ssyncadd.s32 $0xFFFFFFFF  }
0x96: {  	s17 =	sld [smem:$0x11];
	(tm) =	ssettm $0x1  }
0x97: {  	s18 =	sld [smem:$0x3FFB];
	_ =	sdelay $0x3  }
0x98: {  	_ =	strace s18  }
0x99: {  	s4 =	sld [smem:$0x3FFC];
	_ =	sdelay $0x3  }
0x9a: {  	_ =	strace s4  }
0x9b: {  	s4 =	sld [smem:$0x3FFD];
	_ =	sdelay $0x3  }
0x9c: {  	_ =	strace s4  }
0x9d: {  	_ =	strace $0x8FFFFFFF  }
0x9e: {  	s19 =	sld [smem:$0x3FDB];
	_ =	sdelay $0x1  }
0x9f: {  	s5 =	simm.s32 $_scs_section_size  }
0xa0: {  	s6 =	simm.s32 $_size__tile_overlayer_lowered;
	s7 =	simm.s32 $_tile_overlayer_lowered  }
0xa1: {  	s22 =	simm.s32 $0x1BFF;
	s21 =	sshll.u32 s7, $0x1;
	s4 =	sadd.s32 s5, s19  }
0xa2: {  	s8 =	simm.s32 $0x0;
	s20 =	sshll.u32 s6, $0x1;
	s6 =	sadd.s32 s21, s4  }
0xa3: {  	[timem:s8], [sflag:s22] =	dma.local [hbm:s6], s20  }
0xa4: {  	_ =	swait.ge [sflag:s22], s20  }
0xa5: {  	s5 =	ssub.s32 $0x0, s20;
	[sflag:s22] =	ssyncset.done $0x0  }
0xa6: {  	[sflag:s22] =	ssyncadd.s32 s5;
	_ =	sdelay $0x1  }
0xa7: {  	s23 =	simm.s32 $0x1B8B  }
0xa8: {  	_ =	swait.ge [sflag:s23], $0x1  }
0xa9: {  	[sflag:s23] =	ssyncset.done $0x0  }
0xaa: {  	s25 =	simm.s32 $0x1B8E;
	s24 =	sld [smem:$0x3FFE];
	[sflag:s23] =	ssyncadd.s32 $0xFFFFFFFF  }
0xab: {  	s26 =	simm.s32 $execute0_lowered;
	[smem:$0x3FD2] =	sst s25  }
0xac: {  	s6 =	sshll.u32 s26, $0x1;
	_ =	strace $0x80000046;
	[dreg:$0x1] =	wrdreg $0xFFFFFFFF  }
0xad: {  	s28 =	simm.s32 $_size_execute0_lowered;
	s4 =	sadd.s32 s4, s6;
	[dreg:$0x0] =	wrdreg $0x0  }
0xae: {  	s6 =	sshll.u32 s28, $0x1;
	[dreg:$0x2] =	wrdreg s4  }
0xaf: {  	[dreg:$0x3] =	wrdreg s6  }
0xb0: {  	[dreg:$0x4] =	wrdreg $0xC0  }
0xb1: {  	_ =	task [dreg:s8], $0x5FFFF  }
0xb2: {  	[dreg:$0x1] =	wrdreg $0xFFFFFFFF  }
0xb3: {  	[dreg:$0x0] =	wrdreg $0x60  }
0xb4: {  	[dreg:$0x2] =	wrdreg s24  }
0xb5: {  	[dreg:$0x3] =	wrdreg s16  }
0xb6: {  	[dreg:$0x4] =	wrdreg s17  }
0xb7: {  	[dreg:$0x5] =	wrdreg $0x12B800  }
0xb8: {  	[dreg:$0x6] =	wrdreg $0x9  }
0xb9: {  	_ =	task.clear_ibuf [dreg:s8], $0x7FFFF;
	_ =	strace $0x90000046  }
0xba: {  	s29 =	simm.s32 $0x9;
	_ =	strace $0x80000048  }
0xbb: {  	_ =	swait.ge [sflag:s29], $0x1  }
0xbc: {  	[sflag:s29] =	ssyncadd.s32 $0xFFFFFFFF  }
0xbd: {  	_ =	strace $0x90000048  }
0xbe: {  	_ =	sfence  }
0xbf: {  	s30 =	sld [smem:$0x0];
	_ =	sdelay $0x2  }
0xc0: {  	s31 =	sshll.u32 s1, $0xD;
	s1 =	sshrl.u32 s1, $0x2  }
0xc1: {  	s3 =	sand.u32 $0x4000, s31;
	s1 =	sadd.s32 s1, s30  }
0xc2: {  	s0 =	sor.u32 s3, s0;
	s1 =	sshll.u32 s1, $0x11  }
0xc3: {  	s0 =	sor.u32 s1, s0  }
0xc4: {  	s0 =	sadd.s32 $0x8F2B, s0  }
0xc5: {  	[sflag:s0] =	ssyncadd.remote.s32 $0x1  }
0xc6: {  	_ =	sfence.sel $0xFFFF  }
0xc7: {  	[dreg:$0x0] =	wrdreg $0xFFFFFFFF;
	(pc) =	sbr.abs _section_cstart, $3  }
0xc8: {  	[dreg:$0x1] =	wrdreg $0xFFFFFFFF  }
0xc9: {  	_ =	task.clear_ibuf [dreg:s8], $0x2FFFF;
	_ =	strace $0x9FFFFFFF  }
0xca: {  	(tm) =	ssettm $0x7FFFFFFF  }
0xcb: {  	_ =	shalt  }
tec
execute0_lowered:
.L_overlay_start_1:
0x0: {  	(tag) =	ssettag $0x1  }
0x1: {  	s6 =	rddreg [dreg:$0x0]  }
0x2: {  	s1 =	rddreg [dreg:$0x1]  }
0x3: {  	s11 =	rddreg [dreg:$0x2]  }
0x4: {  	s12 =	rddreg [dreg:$0x3]  }
0x5: {  	s2 =	srdreg.scid;
	s3 =	simm.s32 $0x0;
	s0 =	stileid.u32  }
0x6: {  	s17 =	simm.s32 $0xEB80;
	s18 =	simm.s32 $0x80;
	s19 =	simm.s32 $0x400  }
0x7: {  	s20 =	simm.s32 $0x2;
	s21 =	simm.s32 $0x2000;
	s22 =	simm.s32 $0x20000  }
0x8: {  	s23 =	simm.s32 $0x16B80;
	s24 =	simm.s32 $0x100;
	s25 =	simm.s32 $0x1AB80  }
0x9: {  	s4 =	sand.u32 $0x1, s2;
	[smem:$0x7FF] =	sst s3;
	s29 =	sshll.u32 s0, $0xE  }
0xa: {  	s10 =	sshll.u32 s0, $0x7;
	s31 =	sshll.u32 s0, $0x8;
	s16 =	sshll.u32 s0, $0xD  }
0xb: {  	s13 =	sshll.u32 s4, $0x4;
	_ =	strace $0x80000047;
	s7 =	ssub.s32 $0x2, s4  }
0xc: {  	s4 =	sadd.s32 $0x62E00, s6;
	s6 =	sadd.s32 $0x1200, s6;
	s30 =	sand.u32 $0x20000, s29  }
0xd: {  	s10 =	sand.u32 $0x380, s10;
	s5 =	sor.u32 s0, s13;
	s8 =	sshrl.u32 s7, $0x1  }
0xe: {  	s15 =	sadd.s32 s30, s12;
	s13 =	sadd.s32 s11, s13;
	s11 =	sadd.s32 s16, s12  }
0xf: {  	s16 =	simm.s32 $0x1;
	s5 =	smul.u32 $0x186A0, s5;
	s14 =	ssub.s32 s7, s8  }
0x10: {  	s10 =	sadd.s32 s10, s15;
	s12 =	sadd.s32 s31, s13;
	s15 =	simm.s32 $0x9D00  }
0x11: {  	s13 =	smax.u32 s14, $0x1;
	s14 =	simm.s32 $0x4E80;
	s9 =	sshrl.u32 s5, $0x3  }
0x12: {  	v0 =	vimm.f32 $0.0e+00;
	v42 =	vimm.s32 $0x0;
	s7 =	sadd.s32 s4, s9;
	s8 =	sadd.s32 s6, s9;
	s9 =	sadd.s32 s1, s9  }
.LBB2_1:
0x13: {  	s26 =	simm.s32 $0x40;
	s28 =	simm.s32 $0x0  }
.LBB2_2:
0x14: {  	p0 =	sne.s32 s26, $0xFFC0;
	[tilespmem:s28+$0xEB80] =	vst v0;
	s28 =	smov.u32 s26;
	s26 =	sadd.s32 $0x40, s26  }
.Ltmp0:
0x15: {  	(pc) =	sbr.rel @p0 .LBB2_2-.Ltmp0, $2  }
0x16: {  	_ =	sdelay $0x2  }
0x17: {  	s28 =	sshra.s32 s28, $0x2  }
0x18: {  	[tilespmem:s28+$0xEB80] =	vst v0;
	s26 =	simm.s32 $0x0  }
0x19: {  	[tilespmem:s26], [sflag:$0x1] =	stream.linear.gather [hbm4b:s7+s26], $0x2710, $0x38;
	[tilespmem:$0x1AF80] =	vst v63  }
0x1a: {  	_ = 	snop  }
0x1b: {  	[tilespmem:s14], [sflag:$0x1] =	stream.linear.gather [hbm4b:s8+s26], $0x2710, $0x38;
	[tilespmem:$0x1AF80] =	vst v63  }
0x1c: {  	p0 =	por $0x0, $0x0  }
0x1d: {  	[tilespmem:s15], [sflag:$0x1] =	stream.linear.gather [hbm4b:s9+s26], $0x2710, $0x38;
	[tilespmem:$0x1AF80] =	vst v63  }
.LBB2_4:
0x1e: {  	_ =	swait.ge [sflag:s16], $0x2710  }
0x1f: {  	[sflag:s16] =	ssyncset.done $0x0  }
0x20: {  	s28 =	smov.u32 s26;
	s26 =	sadd.s32 $0x1, s26;
	[sflag:s16] =	ssyncadd.s32 $0xFFFFD8F0  }
0x21: {  	s29 =	simm.s32 $0x1;
	p1 =	seq.s32 s28, $0x9;
	_ =	swait.ge [sflag:s16], $0x2710  }
0x22: {  	s28 =	sand.u32 $0x1, s28;
	s30 =	smul.u32 @!p1 $0x2710, s26;
	[sflag:s16] =	ssyncset.done $0x0  }
0x23: {  	s29 =	simm.s32 @!p0 $0x0;
	s28 =	sxor.u32 @!p1 $0x1, s28;
	[sflag:s16] =	ssyncadd.s32 $0xFFFFD8F0  }
0x24: {  	s0 =	simm.s32 @!p1 $0x0;
	s30 =	sadd.s32 @!p1 s5, s30;
	_ =	swait.ge [sflag:s16], $0x2710  }
0x25: {  	s28 =	smul.u32 @!p1 $0x2710, s28;
	s30 =	sshrl.u32 @!p1 s30, $0x3;
	[sflag:s16] =	ssyncset.done $0x0  }
0x26: {  	s29 =	smul.u32 $0x9C40, s29;
	s31 =	sadd.s32 @!p1 s4, s30;
	[sflag:s16] =	ssyncadd.s32 $0xFFFFD8F0  }
0x27: {  	[tilespmem:s28], [sflag:$0x1] =	stream.linear.gather @!p1 [hbm4b:s31+s0], $0x2710, $0x38;
	[tilespmem:$0x1AF80] =	vst v63  }
0x28: {  	s2 =	sadd.s32 @!p1 s6, s30;
	s31 =	sadd.s32 @!p1 $0x4E80, s28;
	s28 =	sadd.s32 @!p1 $0x9D00, s28  }
0x29: {  	[tilespmem:s31], [sflag:$0x1] =	stream.linear.gather @!p1 [hbm4b:s2+s0], $0x2710, $0x38;
	[tilespmem:$0x1AF80] =	vst v63  }
0x2a: {  	s2 =	sshrl.u32 s29, $0x2;
	s29 =	sadd.s32 @!p1 s1, s30;
	s31 =	simm.s32 $0xFFFFFFE7  }
0x2b: {  	[tilespmem:s28], [sflag:$0x1] =	stream.linear.gather @!p1 [hbm4b:s29+s0], $0x2710, $0x38;
	[tilespmem:$0x1AF80] =	vst v63  }
0x2c: {  	s30 =	sadd.s32 $0x9DC0, s2;
	s28 =	sadd.s32 $0xC0, s2;
	s29 =	sadd.s32 $0x4F40, s2  }
.LBB2_5:
0x2d: {  	v23 =	vld [tilespmem:s28+$0xFFFFFF40]  }
0x2e: {  	v19 =	vld [tilespmem:s29+$0xFFFFFF40]  }
0x2f: {  	v16 =	vld [tilespmem:s30+$0xFFFFFF40]  }
0x30: {  	v21 =	vld [tilespmem:s28+$0xFFFFFF50]  }
0x31: {  	v17 =	vld [tilespmem:s29+$0xFFFFFF50]  }
0x32: {  	v18 =	vld [tilespmem:s30+$0xFFFFFF50]  }
0x33: {  	v24 =	vld [tilespmem:s29+$0xFFFFFF60]  }
0x34: {  	v25 =	vld [tilespmem:s28+$0xFFFFFF70]  }
0x35: {  	v26 =	vld [tilespmem:s29+$0xFFFFFF70]  }
0x36: {  	v27 =	vld [tilespmem:s30+$0xFFFFFF70]  }
0x37: {  	v0 =	vld [tilespmem:s29+$0xFFFFFF90];
	v3 =	vtrunc.f32 v23;
	v1 =	vtrunc.f32 v19  }
0x38: {  	v2 =	vtrunc.f32 v16;
	v11 =	vtrunc.f32 v21  }
0x39: {  	v13 =	vtrunc.f32 v17;
	v22 =	vtrunc.f32 v18  }
0x3a: {  	v30 =	vtrunc.f32 v24;
	v40 =	vtrunc.f32 v25  }
0x3b: {  	v43 =	vtrunc.f32 v26;
	v48 =	vtrunc.f32 v27  }
0x3c: {  	v58 =	vtrunc.f32 v0;
	v4 =	vcvt.f32.s32 v3;
	vm0 =	vlt.f32 v23, v3  }
0x3d: {  	v5 =	vcvt.f32.s32 v1;
	vm14 =	vlt.f32 v19, v1;
	v7 =	vcvt.f32.s32 v2  }
0x3e: {  	vm15 =	vlt.f32 v16, v2;
	v12 =	vcvt.f32.s32 v11;
	vm4 =	vlt.f32 v21, v11  }
0x3f: {  	v15 =	vcvt.f32.s32 v13;
	vm5 =	vlt.f32 v17, v13;
	v28 =	vcvt.f32.s32 v22  }
0x40: {  	vm6 =	vlt.f32 v18, v22;
	v31 =	vcvt.f32.s32 v30;
	vm8 =	vlt.f32 v24, v30  }
0x41: {  	v41 =	vcvt.f32.s32 v40;
	vm10 =	vlt.f32 v25, v40;
	v45 =	vcvt.f32.s32 v43  }
0x42: {  	vm11 =	vlt.f32 v26, v43;
	v49 =	vcvt.f32.s32 v48;
	vm12 =	vlt.f32 v27, v48  }
0x43: {  	v60 =	vcvt.f32.s32 v58;
	v3 =	vsel vm0, $0xFFFFFFFF, v42;
	v6 =	vsel vm14, $0xFFFFFFFF, v42  }
0x44: {  	v20 =	vld [tilespmem:s28+$0xFFFFFF60];
	v9 =	vsel vm15, $0xFFFFFFFF, v42;
	v14 =	vsel vm4, $0xFFFFFFFF, v42;
	v34 =	vsel vm8, $0xFFFFFFFF, v42  }
0x45: {  	v44 =	vsel vm10, $0xFFFFFFFF, v42;
	v47 =	vsel vm11, $0xFFFFFFFF, v42;
	vm4 =	vlt.f32 v0, v58  }
0x46: {  	v3 =	vadd.s32 v4, v3;
	v8 =	vadd.s32 v5, v6;
	v5 =	vadd.s32 v7, v9  }
0x47: {  	v6 =	vsel vm6, $0xFFFFFFFF, v42;
	v35 =	vadd.s32 v31, v34;
	v46 =	vadd.s32 v41, v44  }
0x48: {  	v62 =	vsel vm4, $0xFFFFFFFF, v42;
	v3 =	vshll.u32 v3, $0x4;
	v4 =	vand.u32 $0xF, v8  }
0x49: {  	v22 =	vld [tilespmem:s30+$0xFFFFFF60];
	v10 =	vshll.u32 v5, $0x2;
	v5 =	vadd.s32 v12, v14;
	v8 =	vtrunc.f32 v20  }
0x4a: {  	v30 =	vld [tilespmem:s28+$0xFFFFFF80];
	v6 =	vadd.s32 v28, v6;
	v7 =	vand.u32 $0xF, v35;
	v1 =	vadd.s32 v60, v62  }
0x4b: {  	v3 =	vand.u32 $0xF0, v3;
	v5 =	vshll.u32 v5, $0x4;
	v9 =	vcvt.f32.s32 v8  }
0x4c: {  	vm7 =	vlt.f32 v20, v8;
	v6 =	vshll.u32 v6, $0x2;
	v2 =	vand.u32 $0xF, v1  }
0x4d: {  	v31 =	vld [tilespmem:s28+$0xFFFFFFA0];
	v3 =	vor.u32 v4, v3;
	v4 =	vand.u32 $0x3C, v10;
	v5 =	vand.u32 $0xF0, v5  }
0x4e: {  	v28 =	vld [tilespmem:s30+$0xFFFFFF80];
	v29 =	vsel vm7, $0xFFFFFFFF, v42;
	v32 =	vtrunc.f32 v22;
	v6 =	vand.u32 $0x3C, v6  }
0x4f: {  	v35 =	vld [tilespmem:s29+$0xFFFFFFA0];
	v50 =	vtrunc.f32 v30;
	v3 =	vshll.u32 v3, $0x6;
	v10 =	vcvt.f32.s32 v32  }
0x50: {  	vm9 =	vlt.f32 v22, v32;
	v51 =	vcvt.f32.s32 v50;
	vm13 =	vlt.f32 v30, v50  }
0x51: {  	v3 =	vor.u32 v4, v3;
	v4 =	vsel vm5, $0xFFFFFFFF, v42;
	v36 =	vsel vm9, $0xFFFFFFFF, v42  }
0x52: {  	v40 =	vtrunc.f32 v31;
	v37 =	vor.u32 $0x1, v3;
	v33 =	vor.u32 $0x2, v3  }
0x53: {  	v4 =	vadd.s32 v15, v4;
	v8 =	vadd.s32 v10, v36;
	v54 =	vtrunc.f32 v28  }
0x54: {  	v41 =	vcvt.f32.s32 v40;
	vm7 =	vlt.f32 v31, v40;
	v44 =	vtrunc.f32 v35  }
0x55: {  	v32 =	vld [tilespmem:s29+$0xFFFFFF80];
	v4 =	vand.u32 $0xF, v4;
	v38 =	vshll.u32 v8, $0x2;
	v8 =	vsel vm12, $0xFFFFFFFF, v42  }
0x56: {  	v12 =	vcvt.f32.s32 v54;
	vm15 =	vlt.f32 v28, v54;
	v43 =	vsel vm7, $0xFFFFFFFF, v42  }
0x57: {  	vm8 =	vlt.f32 v35, v44;
	v4 =	vor.u32 v4, v5;
	v5 =	vadd.s32 v9, v29  }
0x58: {  	v8 =	vadd.s32 v49, v8;
	v9 =	vsel vm13, $0xFFFFFFFF, v42;
	v56 =	vsel vm15, $0xFFFFFFFF, v42  }
0x59: {  	v36 =	vld [tilespmem:s30+$0xFFFFFFA0];
	v13 =	vsel vm8, $0xFFFFFFFF, v42;
	v4 =	vshll.u32 v4, $0x6;
	v5 =	vshll.u32 v5, $0x4  }
0x5a: {  	v40 =	vld [tilespmem:s29+$0xFFFFFFB0];
	v8 =	vshll.u32 v8, $0x2;
	v52 =	vtrunc.f32 v32;
	v10 =	vadd.s32 v12, v56  }
0x5b: {  	v29 =	vld [tilespmem:s30+$0xFFFFFF90];
	v5 =	vand.u32 $0xF0, v5;
	v8 =	vand.u32 $0x3C, v8;
	v53 =	vcvt.f32.s32 v52  }
0x5c: {  	vm14 =	vlt.f32 v32, v52;
	v57 =	vshll.u32 v10, $0x2;
	v5 =	vor.u32 v7, v5  }
0x5d: {  	v7 =	vand.u32 $0x3C, v38;
	v11 =	vsel vm14, $0xFFFFFFFF, v42;
	v39 =	vshll.u32 v5, $0x6  }
0x5e: {  	v5 =	vor.u32 v6, v4;
	v6 =	vshll.u32 v46, $0x4;
	v55 =	vadd.s32 v53, v11  }
0x5f: {  	v46 =	vtrunc.f32 v36;
	v53 =	vtrunc.f32 v40;
	v4 =	vor.u32 v7, v39  }
0x60: {  	[tilespmem:v3+s17+$0x0] =	vst.idx.add.f32.msk $0xffff, v23;
	v7 =	vadd.s32 v45, v47;
	v6 =	vand.u32 $0xF0, v6;
	v15 =	vtrunc.f32 v29  }
0x61: {  	v38 =	vld [tilespmem:s28+$0xFFFFFF90];
	v45 =	vcvt.f32.s32 v44;
	v14 =	vcvt.f32.s32 v46;
	vm9 =	vlt.f32 v36, v46  }
0x62: {  	[tilespmem:v37+s17+$0x0] =	vst.idx.add.f32.msk $0xffff, v19;
	vm11 =	vlt.f32 v40, v53;
	v7 =	vand.u32 $0xF, v7;
	v34 =	vcvt.f32.s32 v15  }
0x63: {  	v19 =	vld [tilespmem:s30+$0x20];
	vm6 =	vlt.f32 v29, v15;
	v48 =	vsel vm9, $0xFFFFFFFF, v42;
	v15 =	vcvt.f32.s32 v53  }
0x64: {  	[tilespmem:$0x1FF60] =	vst v3;
	v3 =	vmovc v4;
	v4 =	vor.u32 $0x1, v4;
	v6 =	vor.u32 v7, v6;
	v7 =	vadd.s32 v51, v9  }
0x65: {  	v9 =	vand.u32 $0xF, v55;
	v10 =	vsel vm6, $0xFFFFFFFF, v42;
	v47 =	vadd.s32 v45, v13  }
0x66: {  	v12 =	vadd.s32 v14, v48;
	v55 =	vsel vm11, $0xFFFFFFFF, v42;
	v6 =	vshll.u32 v6, $0x6  }
0x67: {  	v44 =	vld [tilespmem:s29+$0xFFFFFFC0];
	v7 =	vshll.u32 v7, $0x4;
	v59 =	vtrunc.f32 v38;
	v10 =	vadd.s32 v34, v10  }
0x68: {  	[tilespmem:v33+s17+$0x0] =	vst.idx.add.f32.msk $0xffff, v16;
	v11 =	vand.u32 $0xF, v47;
	v49 =	vshll.u32 v12, $0x2;
	v33 =	vtrunc.f32 v19  }
0x69: {  	v39 =	vld [tilespmem:s30+$0xFFFFFFC0];
	v7 =	vand.u32 $0xF0, v7;
	v6 =	vor.u32 v8, v6;
	v8 =	vand.u32 $0x3C, v57  }
0x6a: {  	v45 =	vld [tilespmem:s29+$0xFFFFFFD0];
	v61 =	vcvt.f32.s32 v59;
	vm5 =	vlt.f32 v38, v59;
	v10 =	vshll.u32 v10, $0x2  }
0x6b: {  	[tilespmem:$0x1FF50] =	vst v0;
	v34 =	vld [tilespmem:s28+$0xFFFFFFB0];
	v7 =	vor.u32 v9, v7;
	v0 =	vsel vm5, $0xFFFFFFFF, v42;
	v9 =	vadd.s32 v41, v43  }
0x6c: {  	v10 =	vand.u32 $0x3C, v10;
	v62 =	vtrunc.f32 v44;
	v37 =	vor.u32 $0x1, v6  }
0x6d: {  	v7 =	vshll.u32 v7, $0x6;
	v9 =	vshll.u32 v9, $0x4;
	vm14 =	vlt.f32 v44, v62  }
0x6e: {  	v47 =	vld [tilespmem:s28+$0xFFFFFFD0];
	v63 =	vor.u32 v8, v7;
	v8 =	vadd.s32 v61, v0;
	v9 =	vand.u32 $0xF0, v9  }
0x6f: {  	v41 =	vld [tilespmem:s30+$0xFFFFFFB0];
	v0 =	vtrunc.f32 v39;
	v1 =	vsel vm14, $0xFFFFFFFF, v42;
	v53 =	vtrunc.f32 v45  }
0x70: {  	v43 =	vld [tilespmem:s28+$0xFFFFFFC0];
	v8 =	vshll.u32 v8, $0x4;
	v9 =	vor.u32 v11, v9;
	v51 =	vtrunc.f32 v34  }
0x71: {  	[tilespmem:$0x1FFA0] =	vst v63;
	v11 =	vand.u32 $0x3C, v49;
	v63 =	vcvt.f32.s32 v62;
	v46 =	vcvt.f32.s32 v0  }
0x72: {  	vm15 =	vlt.f32 v39, v0;
	vm5 =	vlt.f32 v45, v53;
	v8 =	vand.u32 $0xF0, v8  }
0x73: {  	v50 =	vshll.u32 v9, $0x6;
	v52 =	vcvt.f32.s32 v51;
	vm10 =	vlt.f32 v34, v51  }
0x74: {  	v7 =	vsel vm15, $0xFFFFFFFF, v42;
	v51 =	vtrunc.f32 v47;
	v8 =	vor.u32 v2, v8  }
0x75: {  	v54 =	vsel vm10, $0xFFFFFFFF, v42;
	v57 =	vtrunc.f32 v41;
	v59 =	vtrunc.f32 v43  }
0x76: {  	v2 =	vadd.s32 v63, v1;
	v14 =	vadd.s32 v46, v7;
	vm4 =	vlt.f32 v47, v51  }
0x77: {  	v8 =	vshll.u32 v8, $0x6;
	v56 =	vadd.s32 v52, v54;
	v58 =	vcvt.f32.s32 v57  }
0x78: {  	vm12 =	vlt.f32 v41, v57;
	v60 =	vcvt.f32.s32 v59;
	vm13 =	vlt.f32 v43, v59  }
0x79: {  	v13 =	vand.u32 $0xF, v2;
	v48 =	vshll.u32 v14, $0x2;
	v52 =	vcvt.f32.s32 v51  }
0x7a: {  	v54 =	vsel vm4, $0xFFFFFFFF, v42;
	v57 =	vsel vm5, $0xFFFFFFFF, v42;
	v9 =	vor.u32 v10, v8  }
0x7b: {  	v46 =	vld [tilespmem:s30+$0xFFFFFFD0];
	v8 =	vor.u32 v11, v50;
	v10 =	vadd.s32 v15, v55;
	v12 =	vsel vm12, $0xFFFFFFFF, v42  }
0x7c: {  	[tilespmem:v3+s17+$0x0] =	vst.idx.add.f32.msk $0xffff, v20;
	v11 =	vshll.u32 v56, $0x4;
	v61 =	vsel vm13, $0xFFFFFFFF, v42;
	v55 =	vcvt.f32.s32 v53  }
0x7d: {  	[tilespmem:v6+s17+$0x0] =	vst.idx.add.f32.msk $0xffff, v25;
	v10 =	vand.u32 $0xF, v10;
	v11 =	vand.u32 $0xF0, v11;
	v12 =	vadd.s32 v58, v12  }
0x7e: {  	[tilespmem:v37+s17+$0x0] =	vst.idx.add.f32.msk $0xffff, v26;
	v56 =	vadd.s32 v52, v54;
	v20 =	vor.u32 $0x1, v9;
	v10 =	vor.u32 v10, v11  }
0x7f: {  	v26 =	vld [tilespmem:s29+$0x40];
	v11 =	vadd.s32 v60, v61;
	v12 =	vshll.u32 v12, $0x2;
	v10 =	vshll.u32 v10, $0x6  }
0x80: {  	v51 =	vld [tilespmem:s29+$0xFFFFFFF0];
	v11 =	vshll.u32 v11, $0x4;
	v12 =	vand.u32 $0x3C, v12;
	v58 =	vtrunc.f32 v46  }
0x81: {  	v11 =	vand.u32 $0xF0, v11;
	v10 =	vor.u32 v12, v10;
	v59 =	vcvt.f32.s32 v58  }
0x82: {  	vm6 =	vlt.f32 v46, v58;
	v12 =	vshll.u32 v56, $0x4;
	v11 =	vor.u32 v13, v11  }
0x83: {  	v13 =	vand.u32 $0x3C, v48;
	v48 =	vld [tilespmem:s28+$0xFFFFFFE0];
	v14 =	vsel vm6, $0xFFFFFFFF, v42;
	v12 =	vand.u32 $0xF0, v12  }
0x84: {  	v37 =	vor.u32 $0x1, v10;
	[tilespmem:v9+s17+$0x0] =	vst.idx.add.f32.msk $0xffff, v38;
	v38 =	vtrunc.f32 v26;
	v49 =	vshll.u32 v11, $0x6  }
0x85: {  	v53 =	vld [tilespmem:s28+$0xFFFFFFF0];
	v14 =	vadd.s32 v59, v14;
	v11 =	vtrunc.f32 v51;
	v50 =	vor.u32 v13, v49  }
0x86: {  	v13 =	vadd.s32 v55, v57;
	v49 =	vld [tilespmem:s29+$0xFFFFFFE0];
	v14 =	vshll.u32 v14, $0x2;
	v56 =	vcvt.f32.s32 v11  }
0x87: {  	vm10 =	vlt.f32 v51, v11;
	[tilespmem:$0x1FFE0] =	vst v50;
	v13 =	vand.u32 $0xF, v13;
	v50 =	vld [tilespmem:s30+$0xFFFFFFE0];
	v14 =	vand.u32 $0x3C, v14  }
0x88: {  	v57 =	vsel vm10, $0xFFFFFFFF, v42;
	v12 =	vor.u32 v13, v12;
	v60 =	vtrunc.f32 v48  }
0x89: {  	v12 =	vshll.u32 v12, $0x6;
	v61 =	vcvt.f32.s32 v60;
	vm7 =	vlt.f32 v48, v60  }
0x8a: {  	v7 =	vor.u32 v14, v12;
	v60 =	vtrunc.f32 v53;
	v15 =	vsel vm7, $0xFFFFFFFF, v42  }
0x8b: {  	v62 =	vtrunc.f32 v49;
	vm11 =	vlt.f32 v53, v60;
	v13 =	vadd.s32 v61, v15  }
0x8c: {  	v52 =	vcvt.f32.s32 v62;
	vm8 =	vlt.f32 v49, v62;
	v63 =	vtrunc.f32 v50  }
0x8d: {  	v61 =	vcvt.f32.s32 v60;
	v62 =	vsel vm11, $0xFFFFFFFF, v42;
	v54 =	vsel vm8, $0xFFFFFFFF, v42  }
0x8e: {  	v55 =	vcvt.f32.s32 v63;
	vm9 =	vlt.f32 v50, v63;
	v63 =	vadd.s32 v56, v57;
	v56 =	vld [tilespmem:s29+$0x0]  }
0x8f: {  	v13 =	vshll.u32 v13, $0x4;
	v0 =	vadd.s32 v52, v54;
	v1 =	vsel vm9, $0xFFFFFFFF, v42;
	v54 =	vld [tilespmem:s28+$0x0]  }
0x90: {  	v13 =	vand.u32 $0xF0, v13;
	v15 =	vand.u32 $0xF, v0;
	v52 =	vadd.s32 v55, v1;
	v55 =	vld [tilespmem:s30+$0xFFFFFFF0]  }
0x91: {  	vm9 =	vlt.f32 v19, v33;
	v13 =	vor.u32 v15, v13;
	v2 =	vshll.u32 v52, $0x2  }
0x92: {  	v0 =	vand.u32 $0xF, v63;
	v13 =	vshll.u32 v13, $0x6;
	v14 =	vand.u32 $0x3C, v2  }
0x93: {  	v52 =	vld [tilespmem:s30+$0x0];
	v12 =	vor.u32 v14, v13;
	v14 =	vadd.s32 v61, v62;
	v63 =	vtrunc.f32 v56  }
0x94: {  	v14 =	vshll.u32 v14, $0x4;
	v59 =	vtrunc.f32 v54;
	vm14 =	vlt.f32 v56, v63  }
0x95: {  	v1 =	vtrunc.f32 v55;
	v14 =	vand.u32 $0xF0, v14;
	v11 =	vcvt.f32.s32 v59  }
0x96: {  	vm13 =	vlt.f32 v54, v59;
	v61 =	vsel vm14, $0xFFFFFFFF, v42;
	v2 =	vcvt.f32.s32 v1  }
0x97: {  	[tilespmem:v5+s17+$0x0] =	vst.idx.add.f32.msk $0xffff, v21;
	vm12 =	vlt.f32 v55, v1;
	v14 =	vor.u32 v0, v14;
	v13 =	vsel vm13, $0xFFFFFFFF, v42  }
0x98: {  	[tilespmem:v4+s17+$0x0] =	vst.idx.add.f32.msk $0xffff, v24;
	v0 =	vcvt.f32.s32 v63;
	v1 =	vtrunc.f32 v52;
	v58 =	vsel vm12, $0xFFFFFFFF, v42  }
0x99: {  	v59 =	vld [tilespmem:s29+$0x10];
	v14 =	vshll.u32 v14, $0x6;
	v15 =	vadd.s32 v11, v13;
	v62 =	vcvt.f32.s32 v1  }
0x9a: {  	vm15 =	vlt.f32 v52, v1;
	v57 =	vadd.s32 v2, v58;
	v2 =	vadd.s32 v0, v61  }
0x9b: {  	v24 =	vld [tilespmem:s30+$0x30];
	v11 =	vsel vm15, $0xFFFFFFFF, v42;
	v15 =	vshll.u32 v15, $0x4;
	v60 =	vshll.u32 v57, $0x2  }
0x9c: {  	v58 =	vld [tilespmem:s28+$0x10];
	v63 =	vand.u32 $0xF, v2;
	v61 =	vadd.s32 v62, v11;
	v15 =	vand.u32 $0xF0, v15  }
0x9d: {  	[tilespmem:v8+s17+$0x0] =	vst.idx.add.f32.msk $0xffff, v31;
	v60 =	vand.u32 $0x3C, v60;
	v15 =	vor.u32 v63, v15;
	v61 =	vshll.u32 v61, $0x2  }
0x9e: {  	v57 =	vld [tilespmem:s30+$0x10];
	v2 =	vtrunc.f32 v59;
	v0 =	vshll.u32 v15, $0x6;
	v61 =	vand.u32 $0x3C, v61  }
0x9f: {  	[tilespmem:v10+s17+$0x0] =	vst.idx.add.f32.msk $0xffff, v34;
	v15 =	vor.u32 v60, v14;
	v63 =	vcvt.f32.s32 v2;
	vm5 =	vlt.f32 v59, v2  }
0xa0: {  	[tilespmem:v37+s17+$0x0] =	vst.idx.add.f32.msk $0xffff, v40;
	v14 =	vor.u32 v61, v0;
	v13 =	vsel vm5, $0xFFFFFFFF, v42;
	v31 =	vor.u32 $0x1, v15  }
0xa1: {  	[tilespmem:v7+s17+$0x0] =	vst.idx.add.f32.msk $0xffff, v47;
	v1 =	vtrunc.f32 v58;
	v0 =	vadd.s32 v63, v13;
	v63 =	vor.u32 $0x2, v5  }
0xa2: {  	[tilespmem:$0x1FF70] =	vst v5;
	v61 =	vld [tilespmem:s28+$0x20];
	vm4 =	vlt.f32 v58, v1;
	v60 =	vcvt.f32.s32 v1;
	v1 =	vor.u32 $0x1, v5  }
0xa3: {  	[tilespmem:v12+s17+$0x0] =	vst.idx.add.f32.msk $0xffff, v48;
	v11 =	vtrunc.f32 v57;
	v5 =	vor.u32 $0x2, v6;
	v62 =	vsel vm4, $0xFFFFFFFF, v42  }
0xa4: {  	v2 =	vcvt.f32.s32 v11;
	vm6 =	vlt.f32 v57, v11;
	v62 =	vadd.s32 v60, v62;
	v60 =	vld [tilespmem:s29+$0x20]  }
0xa5: {  	v0 =	vand.u32 $0xF, v0;
	v11 =	vsel vm6, $0xFFFFFFFF, v42;
	[tilespmem:v15+s17+$0x0] =	vst.idx.add.f32.msk $0xffff, v53;
	v13 =	vshll.u32 v62, $0x4  }
0xa6: {  	v2 =	vadd.s32 v2, v11;
	v62 =	vor.u32 $0x2, v3;
	[tilespmem:v31+s17+$0x0] =	vst.idx.add.f32.msk $0xffff, v51;
	v11 =	vand.u32 $0xF0, v13  }
0xa7: {  	v2 =	vshll.u32 v2, $0x2;
	v13 =	vtrunc.f32 v61;
	v0 =	vor.u32 v0, v11;
	[tilespmem:v1+s17+$0x0] =	vst.idx.add.f32.msk $0xffff, v17  }
0xa8: {  	v2 =	vand.u32 $0x3C, v2;
	vm7 =	vlt.f32 v61, v13;
	[tilespmem:v5+s17+$0x0] =	vst.idx.add.f32.msk $0xffff, v27;
	v0 =	vshll.u32 v0, $0x6  }
0xa9: {  	v23 =	vcvt.f32.s32 v13;
	v21 =	vtrunc.f32 v60;
	v13 =	vor.u32 v2, v0;
	v0 =	vld [tilespmem:$0x1FFA0]  }
0xaa: {  	v11 =	vsel vm7, $0xFFFFFFFF, v42;
	vm8 =	vlt.f32 v60, v21;
	v16 =	vcvt.f32.s32 v21;
	v21 =	vld [tilespmem:s28+$0x30]  }
0xab: {  	v1 =	vadd.s32 v23, v11;
	[tilespmem:v62+s17+$0x0] =	vst.idx.add.f32.msk $0xffff, v22;
	v62 =	vor.u32 $0x2, v10;
	v23 =	vsel vm8, $0xFFFFFFFF, v42  }
0xac: {  	[tilespmem:$0x1FF90] =	vst v6;
	vm14 =	vlt.f32 v26, v38;
	v5 =	vtrunc.f32 v24;
	v2 =	vadd.s32 v16, v23;
	v23 =	vld [tilespmem:s29+$0x30]  }
0xad: {  	v6 =	vor.u32 $0x2, v8;
	[tilespmem:v14+s17+$0x0] =	vst.idx.add.f32.msk $0xffff, v54;
	vm12 =	vlt.f32 v24, v5;
	v11 =	vsel vm9, $0xFFFFFFFF, v42  }
0xae: {  	[tilespmem:v63+s17+$0x0] =	vst.idx.add.f32.msk $0xffff, v18;
	v1 =	vshll.u32 v1, $0x4;
	v16 =	vcvt.f32.s32 v33;
	v17 =	vor.u32 $0x1, v0  }
0xaf: {  	v1 =	vand.u32 $0xF0, v1;
	v33 =	vor.u32 $0x2, v9;
	v2 =	vand.u32 $0xF, v2;
	[tilespmem:v13+s17+$0x0] =	vst.idx.add.f32.msk $0xffff, v58  }
0xb0: {  	v18 =	vor.u32 $0x2, v0;
	v4 =	vadd.s32 v16, v11;
	v1 =	vor.u32 v2, v1;
	[tilespmem:v62+s17+$0x0] =	vst.idx.add.f32.msk $0xffff, v41  }
0xb1: {  	v63 =	vtrunc.f32 v21;
	v4 =	vshll.u32 v4, $0x2;
	v11 =	vtrunc.f32 v23;
	[tilespmem:v0+s17+$0x0] =	vst.idx.add.f32.msk $0xffff, v30  }
0xb2: {  	v1 =	vshll.u32 v1, $0x6;
	vm11 =	vlt.f32 v23, v11;
	v25 =	vcvt.f32.s32 v11;
	v11 =	vld [tilespmem:$0x1FFE0]  }
0xb3: {  	v62 =	vor.u32 $0x1, v13;
	vm10 =	vlt.f32 v21, v63;
	v30 =	vcvt.f32.s32 v5;
	[tilespmem:v17+s17+$0x0] =	vst.idx.add.f32.msk $0xffff, v32  }
0xb4: {  	[tilespmem:$0x1FF80] =	vst v3;
	v16 =	vcvt.f32.s32 v63;
	v63 =	vor.u32 $0x1, v8;
	v5 =	vsel vm12, $0xFFFFFFFF, v42;
	v32 =	vld [tilespmem:$0x1FF50]  }
0xb5: {  	[tilespmem:$0x1FFB0] =	vst v9;
	v22 =	vsel vm10, $0xFFFFFFFF, v42;
	v27 =	vsel vm11, $0xFFFFFFFF, v42;
	v17 =	vadd.s32 v30, v5;
	v30 =	vld [tilespmem:s28+$0x50]  }
0xb6: {  	[tilespmem:$0x1FFC0] =	vst v8;
	v8 =	vor.u32 $0x2, v15;
	v16 =	vadd.s32 v16, v22;
	v3 =	vadd.s32 v25, v27;
	v25 =	vld [tilespmem:s28+$0x40]  }
0xb7: {  	[tilespmem:$0x1FFD0] =	vst v10;
	v4 =	vand.u32 $0x3C, v4;
	v16 =	vshll.u32 v16, $0x4;
	v5 =	vor.u32 $0x2, v7;
	v27 =	vld [tilespmem:s30+$0x40]  }
0xb8: {  	v16 =	vand.u32 $0xF0, v16;
	[tilespmem:v18+s17+$0x0] =	vst.idx.add.f32.msk $0xffff, v28;
	v17 =	vshll.u32 v17, $0x2;
	v18 =	vor.u32 v4, v1  }
0xb9: {  	v28 =	vor.u32 $0x1, v12;
	[tilespmem:v62+s17+$0x0] =	vst.idx.add.f32.msk $0xffff, v59;
	v3 =	vand.u32 $0xF, v3;
	v17 =	vand.u32 $0x3C, v17  }
0xba: {  	[tilespmem:v63+s17+$0x0] =	vst.idx.add.f32.msk $0xffff, v35;
	v63 =	vor.u32 $0x1, v14;
	v10 =	vor.u32 $0x1, v18;
	v3 =	vor.u32 v3, v16  }
0xbb: {  	[tilespmem:v8+s17+$0x0] =	vst.idx.add.f32.msk $0xffff, v55;
	v16 =	vor.u32 $0x1, v7;
	v2 =	vor.u32 $0x1, v11;
	v3 =	vshll.u32 v3, $0x6  }
0xbc: {  	v22 =	vor.u32 $0x2, v11;
	v17 =	vor.u32 v17, v3;
	[tilespmem:v20+s17+$0x0] =	vst.idx.add.f32.msk $0xffff, v32;
	v20 =	vcvt.f32.s32 v38  }
0xbd: {  	[tilespmem:v6+s17+$0x0] =	vst.idx.add.f32.msk $0xffff, v36;
	v38 =	vsel vm14, $0xFFFFFFFF, v42;
	v35 =	vtrunc.f32 v30;
	v9 =	vtrunc.f32 v25  }
0xbe: {  	v32 =	vld [tilespmem:s29+$0x50];
	v0 =	vtrunc.f32 v27;
	vm4 =	vlt.f32 v30, v35;
	vm13 =	vlt.f32 v25, v9  }
0xbf: {  	[tilespmem:v33+s17+$0x0] =	vst.idx.add.f32.msk $0xffff, v29;
	v1 =	vcvt.f32.s32 v9;
	v9 =	vcvt.f32.s32 v0;
	vm15 =	vlt.f32 v27, v0  }
0xc0: {  	v29 =	vld [tilespmem:s30+$0x50];
	v20 =	vadd.s32 v20, v38;
	v38 =	vor.u32 $0x2, v12;
	v6 =	vsel vm4, $0xFFFFFFFF, v42  }
0xc1: {  	[tilespmem:v11+s17+$0x0] =	vst.idx.add.f32.msk $0xffff, v43;
	v11 =	vor.u32 $0x1, v17;
	v3 =	vsel vm13, $0xFFFFFFFF, v42;
	v4 =	vsel vm15, $0xFFFFFFFF, v42  }
0xc2: {  	[tilespmem:v28+s17+$0x0] =	vst.idx.add.f32.msk $0xffff, v49;
	v43 =	vor.u32 $0x2, v17;
	v1 =	vadd.s32 v1, v3;
	v4 =	vadd.s32 v9, v4  }
0xc3: {  	[tilespmem:v18+s17+$0x0] =	vst.idx.add.f32.msk $0xffff, v61;
	v3 =	vand.u32 $0xF, v20;
	v20 =	vcvt.f32.s32 v35;
	v9 =	vor.u32 $0x2, v13  }
0xc4: {  	[tilespmem:v2+s17+$0x0] =	vst.idx.add.f32.msk $0xffff, v44;
	v44 =	vor.u32 $0x2, v18;
	v1 =	vshll.u32 v1, $0x4;
	v36 =	vtrunc.f32 v32  }
0xc5: {  	[tilespmem:v63+s17+$0x0] =	vst.idx.add.f32.msk $0xffff, v56;
	v4 =	vshll.u32 v4, $0x2;
	v0 =	vand.u32 $0xF0, v1;
	v1 =	vor.u32 $0x2, v14  }
0xc6: {  	[tilespmem:v16+s17+$0x0] =	vst.idx.add.f32.msk $0xffff, v45;
	vm5 =	vlt.f32 v32, v36;
	v34 =	vcvt.f32.s32 v36;
	v40 =	vtrunc.f32 v29  }
0xc7: {  	v36 =	vld [tilespmem:s28+$0x70];
	v41 =	vsel vm5, $0xFFFFFFFF, v42;
	vm6 =	vlt.f32 v29, v40;
	v35 =	vcvt.f32.s32 v40  }
0xc8: {  	v6 =	vadd.s32 v20, v6;
	v33 =	vsel vm6, $0xFFFFFFFF, v42;
	v37 =	vadd.s32 v34, v41;
	v34 =	vld [tilespmem:s29+$0x60]  }
0xc9: {  	v0 =	vor.u32 v3, v0;
	v2 =	vshll.u32 v6, $0x4;
	v3 =	vadd.s32 v35, v33;
	v33 =	vld [tilespmem:s28+$0x60]  }
0xca: {  	v4 =	vand.u32 $0x3C, v4;
	v2 =	vand.u32 $0xF0, v2;
	v20 =	vand.u32 $0xF, v37;
	v35 =	vld [tilespmem:s30+$0x60]  }
0xcb: {  	v0 =	vshll.u32 v0, $0x6;
	v37 =	vld [tilespmem:s29+$0x70];
	v2 =	vor.u32 v20, v2;
	v3 =	vshll.u32 v3, $0x2  }
0xcc: {  	[tilespmem:v5+s17+$0x0] =	vst.idx.add.f32.msk $0xffff, v46;
	v20 =	vor.u32 v4, v0;
	v2 =	vshll.u32 v2, $0x6;
	v3 =	vand.u32 $0x3C, v3  }
0xcd: {  	[tilespmem:v22+s17+$0x0] =	vst.idx.add.f32.msk $0xffff, v39;
	v0 =	vor.u32 $0x1, v20;
	v5 =	vor.u32 $0x2, v20;
	v39 =	vtrunc.f32 v36  }
0xce: {  	[tilespmem:v38+s17+$0x0] =	vst.idx.add.f32.msk $0xffff, v50;
	v22 =	vor.u32 v3, v2;
	vm10 =	vlt.f32 v36, v39;
	v45 =	vtrunc.f32 v34  }
0xcf: {  	v38 =	vld [tilespmem:s30+$0x70];
	v16 =	vor.u32 $0x1, v22;
	v40 =	vtrunc.f32 v33;
	v47 =	vcvt.f32.s32 v45  }
0xd0: {  	[tilespmem:v10+s17+$0x0] =	vst.idx.add.f32.msk $0xffff, v60;
	vm8 =	vlt.f32 v34, v45;
	v49 =	vtrunc.f32 v35;
	v45 =	vtrunc.f32 v37  }
0xd1: {  	[tilespmem:v17+s17+$0x0] =	vst.idx.add.f32.msk $0xffff, v21;
	v41 =	vcvt.f32.s32 v40;
	vm7 =	vlt.f32 v33, v40;
	v48 =	vsel vm8, $0xFFFFFFFF, v42  }
0xd2: {  	[tilespmem:v11+s17+$0x0] =	vst.idx.add.f32.msk $0xffff, v23;
	v50 =	vcvt.f32.s32 v49;
	vm9 =	vlt.f32 v35, v49;
	v40 =	vcvt.f32.s32 v39  }
0xd3: {  	v23 =	vld [tilespmem:s30+$0xA0];
	vm11 =	vlt.f32 v37, v45;
	v46 =	vsel vm7, $0xFFFFFFFF, v42;
	v3 =	vadd.s32 v47, v48  }
0xd4: {  	v39 =	vld [tilespmem:s28+$0x80];
	v4 =	vsel vm9, $0xFFFFFFFF, v42;
	v47 =	vtrunc.f32 v38;
	v48 =	vsel vm11, $0xFFFFFFFF, v42  }
0xd5: {  	[tilespmem:v20+s17+$0x0] =	vst.idx.add.f32.msk $0xffff, v25;
	v2 =	vadd.s32 v41, v46;
	v3 =	vand.u32 $0xF, v3;
	v4 =	vadd.s32 v50, v4  }
0xd6: {  	[tilespmem:v0+s17+$0x0] =	vst.idx.add.f32.msk $0xffff, v26;
	v41 =	vsel vm10, $0xFFFFFFFF, v42;
	v46 =	vcvt.f32.s32 v45;
	v49 =	vcvt.f32.s32 v47  }
0xd7: {  	vm12 =	vlt.f32 v38, v47;
	[tilespmem:v22+s17+$0x0] =	vst.idx.add.f32.msk $0xffff, v30;
	v2 =	vshll.u32 v2, $0x4;
	v28 =	vshll.u32 v4, $0x2  }
0xd8: {  	v4 =	vor.u32 $0x2, v22;
	v51 =	vsel vm12, $0xFFFFFFFF, v42;
	[tilespmem:v16+s17+$0x0] =	vst.idx.add.f32.msk $0xffff, v32;
	v16 =	vtrunc.f32 v23  }
0xd9: {  	v45 =	vld [tilespmem:s28+$0x90];
	v2 =	vand.u32 $0xF0, v2;
	v50 =	vadd.s32 v46, v48;
	v31 =	vadd.s32 v49, v51  }
0xda: {  	[tilespmem:v5+s17+$0x0] =	vst.idx.add.f32.msk $0xffff, v27;
	v27 =	vcvt.f32.s32 v16;
	vm9 =	vlt.f32 v23, v16;
	v2 =	vor.u32 v3, v2  }
0xdb: {  	[tilespmem:v44+s17+$0x0] =	vst.idx.add.f32.msk $0xffff, v19;
	v3 =	vand.u32 $0x3C, v28;
	v6 =	vand.u32 $0xF, v50;
	v53 =	vtrunc.f32 v39  }
0xdc: {  	v46 =	vld [tilespmem:s29+$0x90];
	v31 =	vshll.u32 v31, $0x2;
	v30 =	vsel vm9, $0xFFFFFFFF, v42;
	v2 =	vshll.u32 v2, $0x6  }
0xdd: {  	[tilespmem:v1+s17+$0x0] =	vst.idx.add.f32.msk $0xffff, v52;
	vm13 =	vlt.f32 v39, v53;
	v31 =	vand.u32 $0x3C, v31;
	v44 =	vadd.s32 v27, v30  }
0xde: {  	v47 =	vld [tilespmem:s30+$0x90];
	v27 =	vimm.f32 $1.000000000e+00;
	v28 =	vor.u32 v3, v2;
	v2 =	vadd.s32 v40, v41  }
0xdf: {  	v40 =	vld [tilespmem:s29+$0x80];
	v54 =	vsel vm13, $0xFFFFFFFF, v42;
	v48 =	vtrunc.f32 v45;
	v3 =	vor.u32 $0x1, v28  }
0xe0: {  	v41 =	vld [tilespmem:s30+$0x80];
	v2 =	vshll.u32 v2, $0x4;
	v1 =	vor.u32 $0x2, v28;
	vm4 =	vlt.f32 v45, v48  }
0xe1: {  	v11 =	vld [tilespmem:$0x1FF60];
	v2 =	vand.u32 $0xF0, v2;
	v49 =	vsel vm4, $0xFFFFFFFF, v42;
	v51 =	vtrunc.f32 v46  }
0xe2: {  	[tilespmem:v43+s17+$0x0] =	vst.idx.add.f32.msk $0xffff, v24;
	v2 =	vor.u32 v6, v2;
	v6 =	vcvt.f32.s32 v53;
	v52 =	vcvt.f32.s32 v51  }
0xe3: {  	[tilespmem:v4+s17+$0x0] =	vst.idx.add.f32.msk $0xffff, v29;
	vm5 =	vlt.f32 v46, v51;
	v53 =	vtrunc.f32 v47;
	v2 =	vshll.u32 v2, $0x6  }
0xe4: {  	v29 =	vld [tilespmem:$0x1FFA0];
	vm6 =	vlt.f32 v47, v53;
	v31 =	vor.u32 v31, v2;
	v55 =	vadd.s32 v6, v54  }
0xe5: {  	v24 =	vld [tilespmem:s29+$0xA0];
	v56 =	vtrunc.f32 v40;
	v59 =	vtrunc.f32 v41;
	v54 =	vsel vm5, $0xFFFFFFFF, v42  }
0xe6: {  	[tilespmem:v9+s17+$0x0] =	vst.idx.add.f32.msk $0xffff, v57;
	v57 =	vsel vm6, $0xFFFFFFFF, v42;
	v58 =	vcvt.f32.s32 v56;
	vm14 =	vlt.f32 v40, v56  }
0xe7: {  	v32 =	vld [tilespmem:s29+$0xB0];
	v62 =	vcvt.f32.s32 v59;
	vm15 =	vlt.f32 v41, v59;
	v2 =	vshll.u32 v55, $0x4  }
0xe8: {  	[tilespmem:v28+s17+$0x0] =	vst.idx.add.f32.msk $0xffff, v33;
	v8 =	vor.u32 $0x1, v31;
	v55 =	vcvt.f32.s32 v53;
	v56 =	vadd.s32 v52, v54  }
0xe9: {  	v25 =	vor.u32 $0x2, v31;
	[tilespmem:v3+s17+$0x0] =	vst.idx.add.f32.msk $0xffff, v34;
	v3 =	vor.u32 $0x3, v29;
	v61 =	vsel vm14, $0xFFFFFFFF, v42  }
0xea: {  	v30 =	vld [tilespmem:$0x1FFB0];
	v9 =	vsel vm15, $0xFFFFFFFF, v42;
	v2 =	vand.u32 $0xF0, v2;
	v63 =	vadd.s32 v58, v61  }
0xeb: {  	[tilespmem:$0x1FFF0] =	vst v7;
	v33 =	vld [tilespmem:$0x1FFD0];
	v7 =	vadd.s32 v62, v9;
	v9 =	vadd.s32 v55, v57;
	v6 =	vand.u32 $0xF, v63  }
0xec: {  	[tilespmem:v1+s17+$0x0] =	vst.idx.add.f32.msk $0xffff, v35;
	v62 =	vtrunc.f32 v24;
	v7 =	vshll.u32 v7, $0x2;
	v2 =	vor.u32 v6, v2  }
0xed: {  	v35 =	vld [tilespmem:$0x1FFE0];
	v6 =	vcvt.f32.s32 v48;
	v7 =	vand.u32 $0x3C, v7;
	v2 =	vshll.u32 v2, $0x6  }
0xee: {  	v55 =	vtrunc.f32 v32;
	v59 =	vshll.u32 v9, $0x2;
	v19 =	vor.u32 v7, v2;
	v7 =	vld [tilespmem:s28+$0xA0]  }
0xef: {  	v63 =	vcvt.f32.s32 v62;
	vm8 =	vlt.f32 v24, v62;
	[tilespmem:v31+s17+$0x0] =	vst.idx.add.f32.msk $0xffff, v36;
	v50 =	vadd.s32 v6, v49  }
0xf0: {  	vm11 =	vlt.f32 v32, v55;
	v0 =	vand.u32 $0x3C, v59;
	v36 =	vld [tilespmem:s28+$0xC0];
	v2 =	vshll.u32 v50, $0x4  }
0xf1: {  	v26 =	vsel vm8, $0xFFFFFFFF, v42;
	[tilespmem:v8+s17+$0x0] =	vst.idx.add.f32.msk $0xffff, v37;
	v6 =	vand.u32 $0xF, v56;
	v2 =	vand.u32 $0xF0, v2  }
0xf2: {  	v57 =	vsel vm11, $0xFFFFFFFF, v42;
	v5 =	vadd.s32 v63, v26;
	[tilespmem:v25+s17+$0x0] =	vst.idx.add.f32.msk $0xffff, v38;
	v2 =	vor.u32 v6, v2  }
0xf3: {  	v38 =	vor.u32 $0x3, v12;
	v50 =	vld [tilespmem:s30+$0xB0];
	v2 =	vshll.u32 v2, $0x6;
	v58 =	vtrunc.f32 v7  }
0xf4: {  	v21 =	vor.u32 v0, v2;
	v2 =	vld [tilespmem:s28+$0xB0];
	vm7 =	vlt.f32 v7, v58;
	v6 =	vcvt.f32.s32 v58  }
0xf5: {  	[tilespmem:v3+s17+$0x0] =	vst.idx.add.f32.msk $0xffff, v27;
	v49 =	vshll.u32 v44, $0x2;
	v44 =	vor.u32 $0x3, v13;
	v60 =	vsel vm7, $0xFFFFFFFF, v42  }
0xf6: {  	v37 =	vld [tilespmem:$0x1FFF0];
	v43 =	vand.u32 $0xF, v5;
	v48 =	vor.u32 $0x1, v19;
	v61 =	vadd.s32 v6, v60  }
0xf7: {  	v25 =	vld [tilespmem:$0x1FF80];
	v51 =	vor.u32 $0x2, v19;
	v4 =	vand.u32 $0x3C, v49;
	v0 =	vshll.u32 v61, $0x4  }
0xf8: {  	v49 =	vor.u32 $0x3, v22;
	[tilespmem:v19+s17+$0x0] =	vst.idx.add.f32.msk $0xffff, v39;
	v58 =	vtrunc.f32 v50;
	v0 =	vand.u32 $0xF0, v0  }
0xf9: {  	[tilespmem:v38+s17+$0x0] =	vst.idx.add.f32.msk $0xffff, v27;
	vm12 =	vlt.f32 v50, v58;
	v53 =	vtrunc.f32 v2;
	v0 =	vor.u32 v43, v0  }
0xfa: {  	[tilespmem:v44+s17+$0x0] =	vst.idx.add.f32.msk $0xffff, v27;
	v54 =	vcvt.f32.s32 v53;
	vm10 =	vlt.f32 v2, v53;
	v0 =	vshll.u32 v0, $0x6  }
0xfb: {  	[tilespmem:v48+s17+$0x0] =	vst.idx.add.f32.msk $0xffff, v40;
	v56 =	vsel vm10, $0xFFFFFFFF, v42;
	v0 =	vor.u32 v4, v0;
	v4 =	vcvt.f32.s32 v55  }
0xfc: {  	v40 =	vld [tilespmem:s29+$0xC0];
	v59 =	vcvt.f32.s32 v58;
	v26 =	vsel vm12, $0xFFFFFFFF, v42;
	v1 =	vadd.s32 v54, v56  }
0xfd: {  	[tilespmem:v49+s17+$0x0] =	vst.idx.add.f32.msk $0xffff, v27;
	v1 =	vshll.u32 v1, $0x4;
	v62 =	vor.u32 $0x1, v0;
	v4 =	vadd.s32 v4, v57  }
0xfe: {  	[tilespmem:v51+s17+$0x0] =	vst.idx.add.f32.msk $0xffff, v41;
	v61 =	vadd.s32 v59, v26;
	v1 =	vand.u32 $0xF0, v1;
	v4 =	vand.u32 $0xF, v4  }
0xff: {  	v39 =	vor.u32 $0x3, v15;
	v26 =	vld [tilespmem:$0x1FF90];
	v6 =	vshll.u32 v61, $0x2;
	v1 =	vor.u32 v4, v1  }
0x100: {  	v52 =	vor.u32 $0x1, v21;
	[tilespmem:v21+s17+$0x0] =	vst.idx.add.f32.msk $0xffff, v45;
	v6 =	vand.u32 $0x3C, v6;
	v1 =	vshll.u32 v1, $0x6  }
0x101: {  	[tilespmem:v0+s17+$0x0] =	vst.idx.add.f32.msk $0xffff, v7;
	v1 =	vor.u32 v6, v1  }
0x102: {  	[tilespmem:v62+s17+$0x0] =	vst.idx.add.f32.msk $0xffff, v24;
	v10 =	vor.u32 $0x1, v1  }
0x103: {  	v24 =	vld [tilespmem:$0x1FF70]  }
0x104: {  	[tilespmem:v39+s17+$0x0] =	vst.idx.add.f32.msk $0xffff, v27  }
0x105: {  	v48 =	vor.u32 $0x3, v20;
	[tilespmem:v52+s17+$0x0] =	vst.idx.add.f32.msk $0xffff, v46  }
0x106: {  	v41 =	vor.u32 $0x3, v14;
	[tilespmem:v1+s17+$0x0] =	vst.idx.add.f32.msk $0xffff, v2  }
0x107: {  	v51 =	vor.u32 $0x3, v28;
	[tilespmem:v10+s17+$0x0] =	vst.idx.add.f32.msk $0xffff, v32  }
0x108: {  	v4 =	vor.u32 $0x3, v24;
	v32 =	vld [tilespmem:$0x1FFC0]  }
0x109: {  	v60 =	vor.u32 $0x2, v21;
	v43 =	vld [tilespmem:s30+$0xC0]  }
0x10a: {  	[tilespmem:v48+s17+$0x0] =	vst.idx.add.f32.msk $0xffff, v27;
	v2 =	vor.u32 $0x3, v26  }
0x10b: {  	v59 =	vor.u32 $0x3, v19;
	[tilespmem:v41+s17+$0x0] =	vst.idx.add.f32.msk $0xffff, v27  }
0x10c: {  	v45 =	vor.u32 $0x3, v18;
	[tilespmem:v51+s17+$0x0] =	vst.idx.add.f32.msk $0xffff, v27  }
0x10d: {  	[tilespmem:v4+s17+$0x0] =	vst.idx.add.f32.msk $0xffff, v27;
	v4 =	vor.u32 $0x3, v32  }
0x10e: {  	[tilespmem:v60+s17+$0x0] =	vst.idx.add.f32.msk $0xffff, v47;
	v47 =	vor.u32 $0x3, v17  }
0x10f: {  	[tilespmem:v2+s17+$0x0] =	vst.idx.add.f32.msk $0xffff, v27;
	v2 =	vor.u32 $0x3, v33  }
0x110: {  	v46 =	vtrunc.f32 v36;
	v52 =	vtrunc.f32 v40;
	[tilespmem:v59+s17+$0x0] =	vst.idx.add.f32.msk $0xffff, v27;
	v34 =	vor.u32 $0x2, v1  }
0x111: {  	vm13 =	vlt.f32 v36, v46;
	vm14 =	vlt.f32 v40, v52;
	v56 =	vor.u32 $0x3, v31;
	[tilespmem:v45+s17+$0x0] =	vst.idx.add.f32.msk $0xffff, v27  }
0x112: {  	v53 =	vcvt.f32.s32 v52;
	v55 =	vsel vm14, $0xFFFFFFFF, v42;
	[tilespmem:v4+s17+$0x0] =	vst.idx.add.f32.msk $0xffff, v27;
	v4 =	vor.u32 $0x3, v35  }
0x113: {  	v60 =	vor.u32 $0x3, v21;
	v63 =	vor.u32 $0x2, v0;
	[tilespmem:v47+s17+$0x0] =	vst.idx.add.f32.msk $0xffff, v27;
	v6 =	vor.u32 $0x3, v11  }
0x114: {  	v54 =	vtrunc.f32 v43;
	v11 =	vcvt.f32.s32 v46;
	[tilespmem:v2+s17+$0x0] =	vst.idx.add.f32.msk $0xffff, v27;
	v2 =	vor.u32 $0x3, v37  }
0x115: {  	vm15 =	vlt.f32 v43, v54;
	v13 =	vcvt.f32.s32 v54;
	[tilespmem:v34+s17+$0x0] =	vst.idx.add.f32.msk $0xffff, v50;
	v50 =	vsel vm13, $0xFFFFFFFF, v42  }
0x116: {  	v7 =	vor.u32 $0x3, v25;
	v57 =	vsel vm15, $0xFFFFFFFF, v42;
	[tilespmem:v56+s17+$0x0] =	vst.idx.add.f32.msk $0xffff, v27;
	v11 =	vadd.s32 v11, v50  }
0x117: {  	v0 =	vor.u32 $0x3, v0;
	v11 =	vshll.u32 v11, $0x4;
	[tilespmem:v4+s17+$0x0] =	vst.idx.add.f32.msk $0xffff, v27;
	v4 =	vadd.s32 v53, v55  }
0x118: {  	v58 =	vadd.s32 v13, v57;
	[tilespmem:v6+s17+$0x0] =	vst.idx.add.f32.msk $0xffff, v27;
	v11 =	vand.u32 $0xF0, v11;
	v4 =	vand.u32 $0xF, v4  }
0x119: {  	v6 =	vor.u32 $0x3, v30;
	[tilespmem:v2+s17+$0x0] =	vst.idx.add.f32.msk $0xffff, v27;
	v2 =	vshll.u32 v58, $0x2;
	v4 =	vor.u32 v4, v11  }
0x11a: {  	[tilespmem:v60+s17+$0x0] =	vst.idx.add.f32.msk $0xffff, v27;
	v1 =	vor.u32 $0x3, v1;
	v2 =	vand.u32 $0x3C, v2;
	v61 =	vshll.u32 v4, $0x6  }
0x11b: {  	[tilespmem:v63+s17+$0x0] =	vst.idx.add.f32.msk $0xffff, v23;
	v2 =	vor.u32 v2, v61  }
0x11c: {  	[tilespmem:v7+s17+$0x0] =	vst.idx.add.f32.msk $0xffff, v27;
	v3 =	vor.u32 $0x1, v2  }
0x11d: {  	s31 =	sadd.s32 $0x19, s31;
	[tilespmem:v0+s17+$0x0] =	vst.idx.add.f32.msk $0xffff, v27;
	v62 =	vor.u32 $0x2, v2  }
0x11e: {  	p1 =	slt.u32 s31, $0x258;
	[tilespmem:v6+s17+$0x0] =	vst.idx.add.f32.msk $0xffff, v27;
	v63 =	vor.u32 $0x3, v2  }
.Ltmp1:
0x11f: {  	[tilespmem:v1+s17+$0x0] =	vst.idx.add.f32.msk $0xffff, v27;
	(pc) =	sbr.rel @p1 .LBB2_5-.Ltmp1, $4  }
0x120: {  	[tilespmem:v2+s17+$0x0] =	vst.idx.add.f32.msk $0xffff, v36  }
0x121: {  	[tilespmem:v3+s17+$0x0] =	vst.idx.add.f32.msk $0xffff, v40  }
0x122: {  	[tilespmem:v62+s17+$0x0] =	vst.idx.add.f32.msk $0xffff, v43  }
0x123: {  	s28 =	sadd.s32 $0x190, s28;
	s29 =	sadd.s32 $0x190, s29;
	s30 =	sadd.s32 $0x190, s30;
	[tilespmem:v63+s17+$0x0] =	vst.idx.add.f32.msk $0xffff, v27  }
0x124: {  	p1 =	sne.s32 s26, $0xA  }
.Ltmp2:
0x125: {  	_ = 	snop;
	(pc) =	sbr.rel @p1 .LBB2_4-.Ltmp2, $2  }
0x126: {  	_ =	sdelay $0x2  }
0x127: {  	p0 =	por !p0, !p0  }
0x128: {  	[spmem:s10] =	stream.strided.scatter [tilespmem:s17], [sflag:$0x2], $0x4000, s19, s18, $0x38;
	[tilespmem:$0x1AF80] =	vst v63  }
0x129: {  	_ =	swait.ge [sflag:s20], $0x4000  }
0x12a: {  	[sflag:s20] =	ssyncset.done $0x0  }
0x12b: {  	[sflag:s20] =	ssyncadd.s32 $0xFFFFC000  }
0x12c: {  	s28 =	simm.s32 $0x0;
	[bflag:$0x0] =	sbarrier.arrive $0xFFFF  }
0x12d: {  	[tilespmem:s23], [sflag:$0x2] =	stream.strided.gather [spmem:s11], $0x4000, s22, s21, $0x38;
	[tilespmem:$0x1AF80] =	vst v63  }
0x12e: {  	s0 =	sand.u32 $0x70, s28;
	s2 =	sand.u32 $0x1C00, s28;
	_ =	swait.ge [sflag:s20], $0x4000  }
0x12f: {  	s0 =	sor.u32 s0, s2;
	[sflag:s20] =	ssyncset.done $0x0  }
0x130: {  	s2 =	sadd.s32 $0x16B80, s0;
	[sflag:s20] =	ssyncadd.s32 $0xFFFFC000  }
0x131: {  	v0 =	vld [tilespmem:s2+$0x80]  }
0x132: {  	v1 =	vld [tilespmem:s0+$0x16B80];
	_ =	sdelay $0x1  }
0x133: {  	v2 =	vld [tilespmem:s2+$0x100];
	_ =	sdelay $0x1  }
0x134: {  	v3 =	vld [tilespmem:s2+$0x180]  }
0x135: {  	v0 =	vadd.f32 v0, v1  }
0x136: {  	v1 =	vld [tilespmem:s2+$0x200]  }
0x137: {  	v0 =	vadd.f32 v2, v0  }
0x138: {  	v2 =	vld [tilespmem:s2+$0x280]  }
0x139: {  	v0 =	vadd.f32 v3, v0  }
0x13a: {  	v3 =	vld [tilespmem:s2+$0x300]  }
0x13b: {  	v0 =	vadd.f32 v1, v0  }
0x13c: {  	v1 =	vld [tilespmem:s2+$0x380]  }
0x13d: {  	v0 =	vadd.f32 v2, v0  }
0x13e: {  	v2 =	vld [tilespmem:s0+$0x18B80]  }
0x13f: {  	v0 =	vadd.f32 v3, v0  }
0x140: {  	v3 =	vld [tilespmem:s0+$0x18C00]  }
0x141: {  	v0 =	vadd.f32 v1, v0  }
0x142: {  	v1 =	vld [tilespmem:s0+$0x18C80]  }
0x143: {  	v0 =	vadd.f32 v2, v0  }
0x144: {  	v2 =	vld [tilespmem:s0+$0x18D00]  }
0x145: {  	v0 =	vadd.f32 v3, v0  }
0x146: {  	v3 =	vld [tilespmem:s0+$0x18D80]  }
0x147: {  	v0 =	vadd.f32 v1, v0  }
0x148: {  	v1 =	vld [tilespmem:s0+$0x18E00]  }
0x149: {  	v0 =	vadd.f32 v2, v0  }
0x14a: {  	v2 =	vld [tilespmem:s0+$0x18E80]  }
0x14b: {  	v0 =	vadd.f32 v3, v0  }
0x14c: {  	v3 =	vld [tilespmem:s0+$0x18F00]  }
0x14d: {  	v0 =	vadd.f32 v1, v0;
	_ =	sdelay $0x1  }
0x14e: {  	v0 =	vadd.f32 v2, v0  }
0x14f: {  	s29 =	simm.s32 $0x80;
	s2 =	simm.s32 $0x10  }
0x150: {  	s31 =	sand.u32 $0x1C00, s29;
	s0 =	sand.u32 $0x70, s2;
	v3 =	vadd.f32 v3, v0  }
0x151: {  	s26 =	simm.s32 $0x1AB80;
	s30 =	simm.s32 $0x20;
	s28 =	sor.u32 s0, s31  }
.LBB2_8:
0x152: {  	p0 =	sne.s32 s30, $0x3F0;
	s0 =	sadd.s32 $0x16B80, s28;
	[tilespmem:s26+$0x0] =	vst v3  }
0x153: {  	v0 =	vld [tilespmem:s0+$0x80]  }
0x154: {  	v1 =	vld [tilespmem:s28+$0x16B80];
	_ =	sdelay $0x1  }
0x155: {  	v2 =	vld [tilespmem:s0+$0x100];
	_ =	sdelay $0x1  }
0x156: {  	v3 =	vld [tilespmem:s0+$0x180]  }
0x157: {  	v0 =	vadd.f32 v0, v1  }
0x158: {  	v1 =	vld [tilespmem:s0+$0x200]  }
0x159: {  	v0 =	vadd.f32 v2, v0  }
0x15a: {  	v2 =	vld [tilespmem:s0+$0x280]  }
0x15b: {  	v0 =	vadd.f32 v3, v0  }
0x15c: {  	v3 =	vld [tilespmem:s0+$0x300]  }
0x15d: {  	v0 =	vadd.f32 v1, v0  }
0x15e: {  	v1 =	vld [tilespmem:s0+$0x380]  }
0x15f: {  	v0 =	vadd.f32 v2, v0  }
0x160: {  	v2 =	vld [tilespmem:s28+$0x18B80]  }
0x161: {  	v0 =	vadd.f32 v3, v0  }
0x162: {  	v3 =	vld [tilespmem:s28+$0x18C00]  }
0x163: {  	v0 =	vadd.f32 v1, v0  }
0x164: {  	v1 =	vld [tilespmem:s28+$0x18C80]  }
0x165: {  	v0 =	vadd.f32 v2, v0  }
0x166: {  	v2 =	vld [tilespmem:s28+$0x18D00]  }
0x167: {  	v0 =	vadd.f32 v3, v0  }
0x168: {  	v3 =	vld [tilespmem:s28+$0x18D80]  }
0x169: {  	v0 =	vadd.f32 v1, v0  }
0x16a: {  	v1 =	vld [tilespmem:s28+$0x18E00]  }
0x16b: {  	v0 =	vadd.f32 v2, v0  }
0x16c: {  	v2 =	vld [tilespmem:s28+$0x18E80]  }
0x16d: {  	v0 =	vadd.f32 v3, v0  }
0x16e: {  	v3 =	vld [tilespmem:s28+$0x18F00]  }
0x16f: {  	v0 =	vadd.f32 v1, v0  }
.Ltmp3:
0x170: {  	(pc) =	sbr.rel @p0 .LBB2_8-.Ltmp3, $4  }
0x171: {  	v0 =	vadd.f32 v2, v0  }
0x172: {  	s29 =	sadd.s32 $0x80, s29  }
0x173: {  	s2 =	sand.u32 $0x1C00, s29;
	s0 =	sand.u32 $0x70, s30;
	v3 =	vadd.f32 v3, v0  }
0x174: {  	s26 =	sadd.s32 $0x10, s26;
	s30 =	sadd.s32 $0x10, s30;
	s28 =	sor.u32 s0, s2  }
0x175: {  	s0 =	sadd.s32 $0x16B80, s28;
	[tilespmem:s26+$0x0] =	vst v3  }
0x176: {  	v0 =	vld [tilespmem:s0+$0x80]  }
0x177: {  	v1 =	vld [tilespmem:s28+$0x16B80];
	_ =	sdelay $0x1  }
0x178: {  	v2 =	vld [tilespmem:s0+$0x100];
	_ =	sdelay $0x1  }
0x179: {  	v3 =	vld [tilespmem:s0+$0x180]  }
0x17a: {  	v0 =	vadd.f32 v0, v1  }
0x17b: {  	v1 =	vld [tilespmem:s0+$0x200]  }
0x17c: {  	v0 =	vadd.f32 v2, v0  }
0x17d: {  	v2 =	vld [tilespmem:s0+$0x280]  }
0x17e: {  	v0 =	vadd.f32 v3, v0  }
0x17f: {  	v3 =	vld [tilespmem:s0+$0x300]  }
0x180: {  	v0 =	vadd.f32 v1, v0  }
0x181: {  	v1 =	vld [tilespmem:s0+$0x380]  }
0x182: {  	v0 =	vadd.f32 v2, v0  }
0x183: {  	v2 =	vld [tilespmem:s28+$0x18B80]  }
0x184: {  	v0 =	vadd.f32 v3, v0  }
0x185: {  	v3 =	vld [tilespmem:s28+$0x18C00]  }
0x186: {  	v0 =	vadd.f32 v1, v0  }
0x187: {  	v1 =	vld [tilespmem:s28+$0x18C80]  }
0x188: {  	v0 =	vadd.f32 v2, v0  }
0x189: {  	v2 =	vld [tilespmem:s28+$0x18D00]  }
0x18a: {  	v0 =	vadd.f32 v3, v0  }
0x18b: {  	v3 =	vld [tilespmem:s28+$0x18D80]  }
0x18c: {  	v0 =	vadd.f32 v1, v0  }
0x18d: {  	v1 =	vld [tilespmem:s28+$0x18E00]  }
0x18e: {  	v0 =	vadd.f32 v2, v0  }
0x18f: {  	v2 =	vld [tilespmem:s28+$0x18E80]  }
0x190: {  	v0 =	vadd.f32 v3, v0  }
0x191: {  	v3 =	vld [tilespmem:s28+$0x18F00]  }
0x192: {  	v0 =	vadd.f32 v1, v0;
	_ =	sdelay $0x1  }
0x193: {  	v0 =	vadd.f32 v2, v0;
	_ =	sdelay $0x1  }
0x194: {  	s3 =	sadd.s32 $0x1, s3;
	v0 =	vadd.f32 v3, v0  }
0x195: {  	s31 =	sadd.s32 $0x10, s26;
	p0 =	sne.s32 s3, s13  }
.Ltmp4:
0x196: {  	[tilespmem:s31+$0x0] =	vst v0;
	(pc) =	sbr.rel @p0 .LBB2_1-.Ltmp4, $4  }
0x197: {  	[hbm4b:s12+s18] =	stream.strided.scatter [tilespmem:s25], [sflag:$0x2], $0x400, s24, s18, $0x38;
	[tilespmem:$0x1AF80] =	vst v63  }
0x198: {  	_ =	swait.ge [sflag:s20], $0x400  }
0x199: {  	[sflag:s20] =	ssyncset.done $0x0  }
0x19a: {  	v0 =	vimm.f32 $0.0e+00;
	[sflag:s20] =	ssyncadd.s32 $0xFFFFFC00  }
0x19b: {  	_ =	sfence.sel $0x180000  }
0x19c: {  	[bflag:$0x0] =	sbarrier.arrive $0xFFFF  }
0x19d: {  	_ =	strace $0x90000047  }
0x19e: {  	s0 =	stileid.u32;
	[bflag:$0x2] =	sbarrier.arrive $0xFFFF  }
0x19f: {  	p0 =	sne.s32 s0, $0x0;
	s0 =	rddreg [dreg:$0x4]  }
0x1a0: {  	s0 =	sadd.s32 @!p0 $0x100000, s0  }
0x1a1: {  	[sflag:s0] =	ssyncadd.tile.s32 @!p0 $0x1;
	_ =	shalt  }
.Lfunc_end2:
_tile_overlayer_lowered:
.L_overlay_start_2:
0x1a2: {  	(tag) =	ssettag $0x2  }
0x1a3: {  	s0 =	rddreg [dreg:$0x0];
	s2 =	stileid.u32  }
0x1a4: {  	s1 =	rddreg [dreg:$0x1];
	p0 =	sne.s32 s2, $0x0  }
0x1a5: {  	s3 =	rddreg [dreg:$0x2];
	[bflag:$0x3] =	sbarrier.arrive $0xFFFF;
	s2 =	simm.s32 @!p0 $0x1C02  }
0x1a6: {  	[timem:s3], [sflag:s2] =	dma.local @!p0 [hbm:s0], s1  }
0x1a7: {  	s0 =	simm.s32 @!p0 $0x2  }
0x1a8: {  	_ =	swait.ge @!p0 [sflag:s0], s1  }
0x1a9: {  	s1 =	ssub.s32 @!p0 $0x0, s1;
	[sflag:s0] =	ssyncset.done @!p0 $0x0  }
0x1aa: {  	[sflag:s0] =	ssyncadd.s32 @!p0 s1  }
0x1ab: {  	[bflag:$0x3] =	sbarrier.arrive $0xFFFF  }
0x1ac: {  	_ =	shalt  }

// kernel: kernel.7.cloned.1.call-start
scs
__scs_entry_jumppad:
0x0: {  	(pc) =	sbr.rel $0x88, $3  }
0x1: {  	(tag) =	ssettag $0x0;
	lr =	simm.s32 $0x1  }
0x2: {  	[smem:$0x3F9F] =	sst lr;
	_ =	strace $0xD0000000  }
0x3: {  	_ = 	snop  }
0x4: {  	_ = 	snop  }
0x5: {  	_ = 	snop  }
0x6: {  	_ = 	snop  }
0x7: {  	_ = 	snop  }
__scs_overlays_trampoline_lowered:
0x8: {  	[smem:$0x3FAE] =	sst s0  }
0x9: {  	[smem:$0x3FAF] =	sst s1  }
0xa: {  	[smem:$0x3FB0] =	sst s2  }
0xb: {  	[smem:$0x3FB1] =	sst s3  }
0xc: {  	[smem:$0x3FB2] =	sst s4  }
0xd: {  	[smem:$0x3FB3] =	sst s5  }
0xe: {  	[smem:$0x3FB4] =	sst s6  }
0xf: {  	[smem:$0x3FB5] =	sst s7  }
0x10: {  	[smem:$0x3FB6] =	sst s8  }
0x11: {  	[smem:$0x3FB7] =	sst s9;
	s0 =	simm.s32 @!p0 $0x0  }
0x12: {  	s1 =	sld [smem:$0x3F9D];
	s0 =	simm.s32 @p0 $0x1  }
0x13: {  	[smem:$0x3FB8] =	sst s0;
	s0 =	simm.s32 @!p1 $0x0  }
0x14: {  	s2 =	sld [smem:$0x3F9C];
	s0 =	simm.s32 @p1 $0x1  }
0x15: {  	[smem:$0x3FB9] =	sst s0;
	s0 =	simm.s32 @!p2 $0x0  }
0x16: {  	s3 =	sld [smem:$0x3FDB];
	s0 =	simm.s32 @p2 $0x1  }
0x17: {  	s4 =	simm.s32 $0x1BF5;
	[smem:$0x3FBB] =	sst s0  }
0x18: {  	s0 =	sld [smem:$0x3F9E];
	_ =	swait.ge [sflag:s4], $0x0  }
0x19: {  	s7 =	sld [smem:$0x3F9F]  }
0x1a: {  	s8 =	sadd.s32 $0xFFFFE003, lr  }
0x1b: {  	s9 =	sadd.s32 $0xFFFFFEF7, lr;
	s5 =	simm.s32 $0xFFFFFFFF;
	p2 =	slt.u32 s8, $0xFFFFF086  }
0x1c: {  	p1 =	slt.u32 s9, $0xF7A;
	s5 =	simm.s32 @!p2 $0x0  }
0x1d: {  	s5 =	simm.s32 @p1 $0x1;
	p0 =	seq.s32 s7, s2  }
0x1e: {  	s7 =	smul.u32 @!p0 $0xF7A, s2;
	p2 =	seq.s32 @!p0 s5, $0x0  }
0x1f: {  	s9 =	smul.u32 $0xF7A, s1;
	s8 =	simm.s32 @!p0 $0x1BF5;
	p2 =	por !p2, p0  }
0x20: {  	[sflag:s8] =	ssyncset.s32 @!p0 $0xFFFFF086;
	s6 =	sadd.s32 @!p0 s3, s7;
	s7 =	simm.s32 @!p0 $0x108  }
0x21: {  	s3 =	sadd.s32 s3, s9;
	s6 =	sadd.s32 @!p0 $0x88, s6;
	s7 =	simm.s32 @p2 $0x1082  }
0x22: {  	[simem:s7], [sflag:s8] =	dma.local @!p0 [hbm:s6], $0xF7A  }
0x23: {  	s9 =	sor.u32 $0xD0000000, s2;
	s6 =	simm.s32 $0x108;
	_ =	swait.ge @!p0 [sflag:s8], $0x0  }
0x24: {  	s3 =	sadd.s32 $0x88, s3;
	s6 =	simm.s32 @!p1 $0x1082;
	[sflag:s4] =	ssyncset.s32 $0xFFFFF086  }
0x25: {  	[simem:s6], [sflag:s4] =	dma.local [hbm:s3], $0xF7A  }
0x26: {  	[smem:$0x3F9F] =	sst s1;
	(tag) =	ssettag s2;
	_ =	strace s9  }
0x27: {  	s1 =	sld [smem:$0x3FAF]  }
0x28: {  	s2 =	sld [smem:$0x3FB0]  }
0x29: {  	s4 =	sld [smem:$0x3FB2]  }
0x2a: {  	p0 =	seq.s32 s5, $0x0;
	s5 =	sld [smem:$0x3FB3]  }
0x2b: {  	s6 =	sld [smem:$0x3FB4]  }
0x2c: {  	s7 =	sld [smem:$0x3FB5]  }
0x2d: {  	s3 =	simm.s32 $0x108;
	s8 =	sld [smem:$0x3FB6]  }
0x2e: {  	s3 =	simm.s32 @!p0 $0x1082;
	s9 =	sld [smem:$0x3FB7]  }
0x2f: {  	lr =	sadd.s32 s0, s3;
	s0 =	sld [smem:$0x3FAE]  }
0x30: {  	s3 =	sld [smem:$0x3FB1]  }
0x31: {  	[smem:$0x3FBA] =	sst s10  }
0x32: {  	s10 =	sld [smem:$0x3FB8];
	_ =	sdelay $0x3  }
0x33: {  	p0 =	seq.s32 s10, $0x1;
	s10 =	sld [smem:$0x3FBA];
	_ =	sdelay $0x3  }
0x34: {  	[smem:$0x3FBA] =	sst s10  }
0x35: {  	s10 =	sld [smem:$0x3FB9];
	_ =	sdelay $0x3  }
0x36: {  	p1 =	seq.s32 s10, $0x1;
	s10 =	sld [smem:$0x3FBA];
	_ =	sdelay $0x3  }
0x37: {  	[smem:$0x3FBA] =	sst s10  }
0x38: {  	s10 =	sld [smem:$0x3FBB]  }
0x39: {  	_ = 	snop;
	(pc) =	sbr.ind lr, $3  }
0x3a: {  	_ = 	snop  }
0x3b: {  	_ = 	snop  }
0x3c: {  	p2 =	seq.s32 s10, $0x1;
	s10 =	sld [smem:$0x3FBA]  }
0x3d: {  	_ =	shalt  }
0x3e: {  	_ =	shalt  }
0x3f: {  	_ =	shalt  }
0x40: {  	_ =	shalt  }
0x41: {  	_ =	shalt  }
0x42: {  	_ =	shalt  }
0x43: {  	_ =	shalt  }
0x44: {  	_ =	shalt  }
0x45: {  	_ =	shalt  }
0x46: {  	_ =	shalt  }
0x47: {  	_ =	shalt  }
0x48: {  	_ =	shalt  }
0x49: {  	_ =	shalt  }
0x4a: {  	_ =	shalt  }
0x4b: {  	_ =	shalt  }
0x4c: {  	_ =	shalt  }
0x4d: {  	_ =	shalt  }
0x4e: {  	_ =	shalt  }
0x4f: {  	_ =	shalt  }
0x50: {  	_ =	shalt  }
0x51: {  	_ =	shalt  }
0x52: {  	_ =	shalt  }
0x53: {  	_ =	shalt  }
0x54: {  	_ =	shalt  }
0x55: {  	_ =	shalt  }
0x56: {  	_ =	shalt  }
0x57: {  	_ =	shalt  }
0x58: {  	_ =	shalt  }
0x59: {  	_ =	shalt  }
0x5a: {  	_ =	shalt  }
0x5b: {  	_ =	shalt  }
0x5c: {  	_ =	shalt  }
0x5d: {  	_ =	shalt  }
0x5e: {  	_ =	shalt  }
0x5f: {  	_ =	shalt  }
0x60: {  	_ =	shalt  }
0x61: {  	_ =	shalt  }
0x62: {  	_ =	shalt  }
0x63: {  	_ =	shalt  }
0x64: {  	_ =	shalt  }
0x65: {  	_ =	shalt  }
0x66: {  	_ =	shalt  }
0x67: {  	_ =	shalt  }
0x68: {  	_ =	shalt  }
0x69: {  	_ =	shalt  }
0x6a: {  	_ =	shalt  }
0x6b: {  	_ =	shalt  }
0x6c: {  	_ =	shalt  }
0x6d: {  	_ =	shalt  }
0x6e: {  	_ =	shalt  }
0x6f: {  	_ =	shalt  }
0x70: {  	_ =	shalt  }
0x71: {  	_ =	shalt  }
0x72: {  	_ =	shalt  }
0x73: {  	_ =	shalt  }
0x74: {  	_ =	shalt  }
0x75: {  	_ =	shalt  }
0x76: {  	_ =	shalt  }
0x77: {  	_ =	shalt  }
0x78: {  	_ =	shalt  }
0x79: {  	_ =	shalt  }
0x7a: {  	_ =	shalt  }
0x7b: {  	_ =	shalt  }
0x7c: {  	_ =	shalt  }
0x7d: {  	_ =	shalt  }
0x7e: {  	_ =	shalt  }
0x7f: {  	_ =	shalt  }
0x80: {  	_ =	shalt  }
0x81: {  	_ =	shalt  }
0x82: {  	_ =	shalt  }
0x83: {  	_ =	shalt  }
0x84: {  	_ =	shalt  }
0x85: {  	_ =	shalt  }
0x86: {  	_ =	shalt  }
0x87: {  	_ =	shalt  }
.Lfunc_end0:
.L_simem_size_0:
called_computation.1_lowered:
.L_overlay_start_0:
0x88: {  	s2 =	sld [smem:$0x3FD9]  }
0x89: {  	s3 =	sld [smem:$0x3FFE];
	_ =	sdelay $0x1  }
0x8a: {  	s1 =	srdreg.scid  }
0x8b: {  	s0 =	sand.u32 $0x1, s1  }
0x8c: {  	s14 =	sshll.u32 s0, $0xA;
	s2 =	sadd.s32 s3, s2  }
0x8d: {  	s2 =	sadd.s32 s2, s14  }
0x8e: {  	[smem:$0x3FC6] =	sst s2  }
0x8f: {  	_ = 	snop  }
0x90: {  	s2 =	sld [smem:$0x3FD0];
	_ =	sdelay $0x2  }
0x91: {  	s15 =	simm.s32 $0xA;
	s4 =	simm.s32 $0x10  }
0x92: {  	[smem:s4], [sflag:s15] =	dma.local [hbm:s2], $0x1  }
0x93: {  	_ =	swait.eq [sflag:s15], $0x1  }
0x94: {  	[sflag:s15] =	ssyncset.done $0x0  }
0x95: {  	s16 =	sld [smem:$0x10];
	[sflag:s15] =	ssyncadd.s32 $0xFFFFFFFF  }
0x96: {  	s17 =	sld [smem:$0x11];
	(tm) =	ssettm $0x1  }
0x97: {  	s18 =	sld [smem:$0x3FFB];
	_ =	sdelay $0x3  }
0x98: {  	_ =	strace s18  }
0x99: {  	s4 =	sld [smem:$0x3FFC];
	_ =	sdelay $0x3  }
0x9a: {  	_ =	strace s4  }
0x9b: {  	s4 =	sld [smem:$0x3FFD];
	_ =	sdelay $0x3  }
0x9c: {  	_ =	strace s4  }
0x9d: {  	_ =	strace $0x8FFFFFFF  }
0x9e: {  	s19 =	sld [smem:$0x3FDB];
	_ =	sdelay $0x1  }
0x9f: {  	s5 =	simm.s32 $_scs_section_size  }
0xa0: {  	s6 =	simm.s32 $_size__tile_overlayer_lowered;
	s7 =	simm.s32 $_tile_overlayer_lowered  }
0xa1: {  	s22 =	simm.s32 $0x1BFF;
	s21 =	sshll.u32 s7, $0x1;
	s4 =	sadd.s32 s5, s19  }
0xa2: {  	s8 =	simm.s32 $0x0;
	s20 =	sshll.u32 s6, $0x1;
	s6 =	sadd.s32 s21, s4  }
0xa3: {  	[timem:s8], [sflag:s22] =	dma.local [hbm:s6], s20  }
0xa4: {  	_ =	swait.ge [sflag:s22], s20  }
0xa5: {  	s5 =	ssub.s32 $0x0, s20;
	[sflag:s22] =	ssyncset.done $0x0  }
0xa6: {  	[sflag:s22] =	ssyncadd.s32 s5;
	_ =	sdelay $0x1  }
0xa7: {  	s23 =	simm.s32 $0x1B8B  }
0xa8: {  	_ =	swait.ge [sflag:s23], $0x1  }
0xa9: {  	[sflag:s23] =	ssyncset.done $0x0  }
0xaa: {  	s25 =	simm.s32 $0x1B8E;
	s24 =	sld [smem:$0x3FFE];
	[sflag:s23] =	ssyncadd.s32 $0xFFFFFFFF  }
0xab: {  	s26 =	simm.s32 $execute0_lowered;
	[smem:$0x3FD2] =	sst s25  }
0xac: {  	s6 =	sshll.u32 s26, $0x1;
	_ =	strace $0x80000049;
	[dreg:$0x1] =	wrdreg $0xFFFFFFFF  }
0xad: {  	s28 =	simm.s32 $_size_execute0_lowered;
	s4 =	sadd.s32 s4, s6;
	[dreg:$0x0] =	wrdreg $0x0  }
0xae: {  	s6 =	sshll.u32 s28, $0x1;
	[dreg:$0x2] =	wrdreg s4  }
0xaf: {  	[dreg:$0x3] =	wrdreg s6  }
0xb0: {  	[dreg:$0x4] =	wrdreg $0xC0  }
0xb1: {  	_ =	task [dreg:s8], $0x5FFFF  }
0xb2: {  	[dreg:$0x1] =	wrdreg $0xFFFFFFFF  }
0xb3: {  	[dreg:$0x0] =	wrdreg $0x60  }
0xb4: {  	[dreg:$0x2] =	wrdreg s17  }
0xb5: {  	[dreg:$0x3] =	wrdreg s16  }
0xb6: {  	[dreg:$0x4] =	wrdreg s24  }
0xb7: {  	[dreg:$0x5] =	wrdreg $0x9  }
0xb8: {  	_ =	task.clear_ibuf [dreg:s8], $0x6FFFF;
	_ =	strace $0x90000049  }
0xb9: {  	s29 =	simm.s32 $0x9;
	_ =	strace $0x8000004B  }
0xba: {  	_ =	swait.ge [sflag:s29], $0x1  }
0xbb: {  	[sflag:s29] =	ssyncadd.s32 $0xFFFFFFFF  }
0xbc: {  	_ =	strace $0x9000004B  }
0xbd: {  	_ =	sfence  }
0xbe: {  	s30 =	sld [smem:$0x0];
	_ =	sdelay $0x2  }
0xbf: {  	s31 =	sshll.u32 s1, $0xD;
	s1 =	sshrl.u32 s1, $0x2  }
0xc0: {  	s3 =	sand.u32 $0x4000, s31;
	s1 =	sadd.s32 s1, s30  }
0xc1: {  	s0 =	sor.u32 s3, s0;
	s1 =	sshll.u32 s1, $0x11  }
0xc2: {  	s0 =	sor.u32 s1, s0  }
0xc3: {  	s0 =	sadd.s32 $0x8F2B, s0  }
0xc4: {  	[sflag:s0] =	ssyncadd.remote.s32 $0x1  }
0xc5: {  	_ =	sfence.sel $0xFFFF  }
0xc6: {  	[dreg:$0x0] =	wrdreg $0xFFFFFFFF;
	(pc) =	sbr.abs _section_cstart, $3  }
0xc7: {  	[dreg:$0x1] =	wrdreg $0xFFFFFFFF  }
0xc8: {  	_ =	task.clear_ibuf [dreg:s8], $0x2FFFF;
	_ =	strace $0x9FFFFFFF  }
0xc9: {  	(tm) =	ssettm $0x7FFFFFFF  }
tec
execute0_lowered:
.L_overlay_start_1:
0x0: {  	(tag) =	ssettag $0x1  }
0x1: {  	s3 =	srdreg.scid  }
0x2: {  	s6 =	sand.u32 $0x1, s3;
	s3 =	stileid.u32  }
0x3: {  	s7 =	sshll.u32 s6, $0x4;
	s8 =	ssub.s32 $0x0, s3  }
0x4: {  	p0 =	sne.s32 s7, s8  }
.Ltmp0:
0x5: {  	s1 =	rddreg [dreg:$0x0];
	(pc) =	sbr.rel @p0 .LBB2_9-.Ltmp0, $4  }
0x6: {  	s2 =	rddreg [dreg:$0x1]  }
0x7: {  	s5 =	rddreg [dreg:$0x2];
	s4 =	simm.s32 $0x0  }
0x8: {  	[smem:$0x7FF] =	sst s4  }
0x9: {  	s0 =	rddreg [dreg:$0x3];
	_ =	strace $0x8000004A  }
0xa: {  	v0 =	vimm.s32 $0xF0B0703;
	v1 =	vimm.s32 $0x1F1B1713  }
0xb: {  	v2 =	vimm.s32 $0x2F2B2723;
	v3 =	vimm.s32 $0x3F3B3733;
	vm0 =	vcmask $0x1F10  }
0xc: {  	v4 =	vimm.s32 $0x2C282420;
	v5 =	vimm.s32 $0x3C383430;
	v6 =	vimm.s32 $0x3D393531  }
0xd: {  	v7 =	vimm.s32 $0xE0A0602;
	v0 =	vunpack.c.0.s8.s32 v0;
	v1 =	vunpack.c.0.s8.s32 v1  }
0xe: {  	v8 =	vimm.s32 $0x1E1A1612;
	v2 =	vunpack.c.0.s8.s32 v2;
	v3 =	vunpack.c.0.s8.s32 v3  }
0xf: {  	v9 =	vimm.s32 $0x2E2A2622;
	v10 =	vimm.s32 $0x3E3A3632;
	v0 =	vsel vm0, v1, v0  }
0x10: {  	v1 =	vimm.s32 $0xC080400;
	v2 =	vsel vm0, v3, v2;
	v3 =	vimm.s32 $0x1C181410  }
0x11: {  	v6 =	vunpack.c.0.s8.s32 v6;
	v1 =	vunpack.c.0.s8.s32 v1;
	v3 =	vunpack.c.0.s8.s32 v3  }
0x12: {  	v0 =	vcombine.low v2, v0;
	v2 =	vunpack.c.0.s8.s32 v4;
	v4 =	vunpack.c.0.s8.s32 v5  }
0x13: {  	v7 =	vunpack.c.0.s8.s32 v7;
	v8 =	vunpack.c.0.s8.s32 v8;
	v5 =	vimm.s32 $0x1D191511  }
0x14: {  	v1 =	vsel vm0, v3, v1;
	v3 =	vimm.s32 $0xD090501;
	v2 =	vsel vm0, v4, v2  }
0x15: {  	s6 =	ssub.s32 $0x2, s6;
	v4 =	vunpack.c.0.s8.s32 v5;
	v5 =	vimm.s32 $0x2D292521;
	v3 =	vunpack.c.0.s8.s32 v3  }
0x16: {  	s5 =	sadd.s32 $0x1200, s5;
	s8 =	simm.s32 $0x80;
	s9 =	simm.s32 $0x100;
	v9 =	vunpack.c.0.s8.s32 v9;
	v10 =	vunpack.c.0.s8.s32 v10;
	v5 =	vunpack.c.0.s8.s32 v5  }
0x17: {  	s10 =	simm.s32 $0x1;
	s11 =	simm.s32 $0x4000;
	s7 =	sshrl.u32 s6, $0x1;
	v1 =	vcombine.low v2, v1;
	v2 =	vimm.f32 $0.0e+00;
	v4 =	vsel vm0, v4, v3  }
0x18: {  	s12 =	simm.s32 $0x8000;
	s13 =	simm.s32 $0xB000;
	s7 =	ssub.s32 s6, s7;
	v5 =	vsel vm0, v6, v5;
	v6 =	vsel vm0, v8, v7;
	v7 =	vsel vm0, v10, v9  }
0x19: {  	s14 =	simm.s32 $0x0;
	s6 =	sadd.s32 $0x10, s1;
	s7 =	smax.u32 s7, $0x1;
	v3 =	vimm.s32 $0x0;
	v4 =	vcombine.low v5, v4;
	v5 =	vcombine.low v7, v6  }
.LBB2_2:
0x1a: {  	s15 =	simm.s32 $0x0  }
0x1b: {  	[tilespmem:s15], [sflag:$0x1] =	stream.strided.gather [hbm4b:s1+s8], $0x4000, s9, s8, $0x38;
	[tilespmem:$0xB080] =	vst v63  }
0x1c: {  	_ =	swait.ge [sflag:s10], $0x4000  }
0x1d: {  	[sflag:s10] =	ssyncset.done $0x0  }
0x1e: {  	[sflag:s10] =	ssyncadd.s32 $0xFFFFC000  }
0x1f: {  	[tilespmem:s11], [sflag:$0x1] =	stream.strided.gather [hbm4b:s6+s8], $0x4000, s9, s8, $0x38;
	[tilespmem:$0xB080] =	vst v63  }
0x20: {  	_ =	swait.ge [sflag:s10], $0x4000  }
0x21: {  	[sflag:s10] =	ssyncset.done $0x0  }
0x22: {  	s16 =	simm.s32 $0x0;
	[sflag:s10] =	ssyncadd.s32 $0xFFFFC000  }
0x23: {  	s17 =	simm.s32 $0x40;
	v6 =	vld [tilespmem:s16+$0x4000]  }
.LBB2_3:
0x24: {  	p0 =	sne.s32 s17, $0xFFC0;
	v7 =	vld [tilespmem:s16+$0x0];
	_ =	sdelay $0x2  }
.Ltmp1:
0x25: {  	(pc) =	sbr.rel @p0 .LBB2_3-.Ltmp1, $4  }
0x26: {  	_ = 	snop  }
0x27: {  	v7 =	vadd.f32 v6, v7  }
0x28: {  	s18 =	sshra.s32 s17, $0x2  }
0x29: {  	s17 =	sadd.s32 $0x40, s17;
	v6 =	vld [tilespmem:s18+$0x4000];
	[tilespmem:s16+$0x0] =	vst v7;
	s16 =	smov.u32 s18  }
0x2a: {  	v7 =	vld [tilespmem:s16+$0x0];
	_ =	sdelay $0x4  }
0x2b: {  	v6 =	vadd.f32 v6, v7;
	_ =	sdelay $0x1  }
0x2c: {  	[tilespmem:s16+$0x0] =	vst v6  }
.LBB2_5:
0x2d: {  	p0 =	sne.s32 s15, $0xBFC0  }
.Ltmp2:
0x2e: {  	_ = 	snop;
	(pc) =	sbr.rel @p0 .LBB2_5-.Ltmp2, $3  }
0x2f: {  	_ =	sdelay $0x1  }
0x30: {  	s16 =	sshra.s32 s15, $0x2  }
0x31: {  	s15 =	sadd.s32 $0x40, s15;
	[tilespmem:s16+$0x8000] =	vst v2  }
0x32: {  	s15 =	simm.s32 $0x0  }
0x33: {  	s15 =	sxor.u32 $0x2200, s15  }
0x34: {  	v6 =	vor.u32 s15, v0;
	_ =	sdelay $0x4  }
0x35: {  	v6 =	vld.idx.msk [tilespmem:v6+s4+$0x0], $0xffff;
	_ =	sdelay $0x4  }
0x36: {  	vm0 =	vgt.f32 v6, $0.0e+00  }
0x37: {  	v7 =	vsel vm0, $0x1, v3  }
0x38: {  	(xrf0) =	vadd.scan.msk.s32 $0xffff, v7  }
0x39: {  	(erf) = vrcp.f32 v6;
	v7 =	vor.u32 s15, v1;
	_ =	sdelay $0x4  }
0x3a: {  	v6 =	vimm.s32 $0x0;
	v7 =	vld.idx.msk [tilespmem:v7+s4+$0x0], $0xffff;
	v8, _, _ =	vpop (xrf0)  }
0x3b: {  	v8 =	vadd.s32 v6, v8  }
0x3c: {  	v9 =	vadd.s32 $0xFFFFFFFF, v8  }
0x3d: {  	v10 =	vor.u32 s15, v4  }
0x3e: {  	v11 =	vpop (erf)  }
0x3f: {  	v7 =	vmul.f32 v11, v7;
	_ =	sdelay $0x1  }
0x40: {  	[tilespmem:v9+s12+$0x0] =	vst.idx.msk vm0, v7  }
0x41: {  	v7 =	vld.idx.msk [tilespmem:v10+s4+$0x0], $0xffff;
	_ =	sdelay $0x1  }
0x42: {  	v9 =	vadd.s32 $0xFFF, v8  }
0x43: {  	v10 =	vor.u32 s15, v5;
	_ =	sdelay $0x1  }
0x44: {  	v7 =	vmul.f32 v7, v11;
	_ =	sdelay $0x1  }
0x45: {  	[tilespmem:v9+s12+$0x0] =	vst.idx.msk vm0, v7  }
0x46: {  	v7 =	vld.idx.msk [tilespmem:v10+s4+$0x0], $0xffff  }
0x47: {  	s31 =	simm.s32 $0x40;
	v9 =	vmpcnt.ones.xlane vm0  }
0x48: {  	s15 =	sxor.u32 $0x2200, s31;
	v10 =	vadd.s32 $0x1FFF, v8  }
0x49: {  	v6 =	vadd.s32 v6, v9;
	v9 =	vor.u32 s15, v0;
	_ =	sdelay $0x1  }
0x4a: {  	s16 =	simm.s32 $0x80;
	v8 =	vor.u32 s15, v1;
	v11 =	vmul.f32 v7, v11;
	v7 =	vmov v6  }
.LBB2_7:
0x4b: {  	_ = 	snop  }
0x4c: {  	p0 =	sne.s32 s16, $0x3FC0;
	s17 =	smov.u32 s16;
	s16 =	sadd.s32 $0x40, s16;
	[tilespmem:v10+s12+$0x0] =	vst.idx.msk vm0, v11  }
0x4d: {  	v9 =	vld.idx.msk [tilespmem:v9+s4+$0x0], $0xffff;
	_ =	sdelay $0x5  }
0x4e: {  	vm0 =	vgt.f32 v9, $0.0e+00  }
0x4f: {  	v10 =	vsel vm0, $0x1, v3;
	v11 =	vmpcnt.ones.xlane vm0  }
0x50: {  	(xrf0) =	vadd.scan.msk.s32 $0xffff, v10  }
0x51: {  	v6 =	vadd.s32 v6, v11;
	(erf) = vrcp.f32 v9;
	_ =	sdelay $0x3  }
0x52: {  	v8 =	vld.idx.msk [tilespmem:v8+s4+$0x0], $0xffff  }
0x53: {  	v9, _, _ =	vpop (xrf0)  }
0x54: {  	v9 =	vadd.s32 v7, v9;
	v7 =	vmov v6  }
0x55: {  	v10 =	vadd.s32 $0xFFFFFFFF, v9  }
0x56: {  	v11 =	vor.u32 s15, v4  }
0x57: {  	v12 =	vpop (erf)  }
0x58: {  	v8 =	vmul.f32 v12, v8;
	_ =	sdelay $0x1  }
0x59: {  	[tilespmem:v10+s12+$0x0] =	vst.idx.msk vm0, v8  }
0x5a: {  	v8 =	vld.idx.msk [tilespmem:v11+s4+$0x0], $0xffff;
	_ =	sdelay $0x2  }
0x5b: {  	v10 =	vadd.s32 $0xFFF, v9  }
0x5c: {  	v11 =	vor.u32 s15, v5;
	_ =	sdelay $0x1  }
0x5d: {  	v8 =	vmul.f32 v8, v12;
	_ =	sdelay $0x1  }
0x5e: {  	[tilespmem:v10+s12+$0x0] =	vst.idx.msk vm0, v8  }
0x5f: {  	v11 =	vld.idx.msk [tilespmem:v11+s4+$0x0], $0xffff;
	_ =	sdelay $0x1  }
.Ltmp3:
0x60: {  	(pc) =	sbr.rel @p0 .LBB2_7-.Ltmp3, $3  }
0x61: {  	s15 =	sxor.u32 $0x2200, s17;
	v10 =	vadd.s32 $0x1FFF, v9  }
0x62: {  	v9 =	vor.u32 s15, v0;
	v8 =	vor.u32 s15, v1;
	_ =	sdelay $0x1  }
0x63: {  	v11 =	vmul.f32 v11, v12  }
0x64: {  	_ =	sdelay $0x4  }
0x65: {  	[tilespmem:v10+s12+$0x0] =	vst.idx.msk vm0, v11  }
0x66: {  	v9 =	vld.idx.msk [tilespmem:v9+s4+$0x0], $0xffff;
	_ =	sdelay $0x4  }
0x67: {  	vm15 =	vgt.f32 v9, $0.0e+00  }
0x68: {  	v57 =	vsel vm15, $0x1, v3  }
0x69: {  	(xrf0) =	vadd.scan.msk.s32 $0xffff, v57  }
0x6a: {  	(erf) = vrcp.f32 v9;
	_ =	sdelay $0x4  }
0x6b: {  	v8 =	vld.idx.msk [tilespmem:v8+s4+$0x0], $0xffff;
	v58, _, _ =	vpop (xrf0)  }
0x6c: {  	v7 =	vadd.s32 v7, v58  }
0x6d: {  	v9 =	vadd.s32 $0xFFFFFFFF, v7  }
0x6e: {  	v59 =	vor.u32 s15, v4  }
0x6f: {  	v60 =	vpop (erf)  }
0x70: {  	v8 =	vmul.f32 v60, v8;
	_ =	sdelay $0x1  }
0x71: {  	[tilespmem:v9+s12+$0x0] =	vst.idx.msk vm15, v8  }
0x72: {  	v8 =	vld.idx.msk [tilespmem:v59+s4+$0x0], $0xffff;
	_ =	sdelay $0x1  }
0x73: {  	v61 =	vadd.s32 $0xFFF, v7  }
0x74: {  	v62 =	vor.u32 s15, v5;
	_ =	sdelay $0x1  }
0x75: {  	v8 =	vmul.f32 v8, v60;
	_ =	sdelay $0x1  }
0x76: {  	[tilespmem:v61+s12+$0x0] =	vst.idx.msk vm15, v8  }
0x77: {  	v8 =	vld.idx.msk [tilespmem:v62+s4+$0x0], $0xffff;
	_ =	sdelay $0x1  }
0x78: {  	v7 =	vadd.s32 $0x1FFF, v7;
	_ =	sdelay $0x2  }
0x79: {  	v63 =	vmpcnt.ones.xlane vm15;
	v8 =	vmul.f32 v8, v60;
	_ =	sdelay $0x1  }
0x7a: {  	v6 =	vadd.s32 v6, v63;
	[tilespmem:v7+s12+$0x0] =	vst.idx.msk vm15, v8  }
0x7b: {  	[tilespmem:$0xB000] =	vst v6  }
0x7c: {  	[hbm4b:s5+s4] =	stream.linear.scatter [tilespmem:s13], [sflag:$0x1], $0x80, $0x38;
	[tilespmem:$0xB080] =	vst v63  }
0x7d: {  	s14 =	sadd.s32 $0x1, s14;
	_ =	swait.ge [sflag:s10], $0x80  }
0x7e: {  	p0 =	sne.s32 s14, s7;
	[sflag:s10] =	ssyncset.done $0x0  }
.Ltmp4:
0x7f: {  	[sflag:s10] =	ssyncadd.s32 $0xFFFFFF80;
	(pc) =	sbr.rel @p0 .LBB2_2-.Ltmp4, $4  }
0x80: {  	[hbm4b:s2+s4] =	stream.linear.scatter [tilespmem:s12], [sflag:$0x1], $0x3000, $0x38;
	[tilespmem:$0xB080] =	vst v63  }
0x81: {  	_ =	swait.ge [sflag:s10], $0x3000  }
0x82: {  	[sflag:s10] =	ssyncset.done $0x0  }
0x83: {  	[sflag:s10] =	ssyncadd.s32 $0xFFFFD000  }
.LBB2_9:
0x84: {  	_ =	sfence.sel $0x180000  }
0x85: {  	[bflag:$0x0] =	sbarrier.arrive $0xFFFF  }
0x86: {  	p0 =	sne.s32 s3, $0x0;
	_ =	strace $0x9000004A  }
0x87: {  	s0 =	sadd.s32 @!p0 $0x100000, s0;
	[bflag:$0x2] =	sbarrier.arrive $0xFFFF  }
0x88: {  	[sflag:s0] =	ssyncadd.tile.s32 @!p0 $0x1;
	_ =	shalt  }
.Lfunc_end2:
_tile_overlayer_lowered:
.L_overlay_start_2:
0x89: {  	(tag) =	ssettag $0x2  }
0x8a: {  	s0 =	rddreg [dreg:$0x0];
	s2 =	stileid.u32  }
0x8b: {  	s1 =	rddreg [dreg:$0x1];
	p0 =	sne.s32 s2, $0x0  }
0x8c: {  	s3 =	rddreg [dreg:$0x2];
	[bflag:$0x3] =	sbarrier.arrive $0xFFFF;
	s2 =	simm.s32 @!p0 $0x1C01  }
0x8d: {  	[timem:s3], [sflag:s2] =	dma.local @!p0 [hbm:s0], s1  }
0x8e: {  	s0 =	simm.s32 @!p0 $0x1  }
0x8f: {  	_ =	swait.ge @!p0 [sflag:s0], s1  }
0x90: {  	s1 =	ssub.s32 @!p0 $0x0, s1;
	[sflag:s0] =	ssyncset.done @!p0 $0x0  }
0x91: {  	[sflag:s0] =	ssyncadd.s32 @!p0 s1  }
0x92: {  	[bflag:$0x3] =	sbarrier.arrive $0xFFFF  }
0x93: {  	_ =	shalt  }

</sc_bundles>
